<compile_context>
chip_gen: v7x
topology: tpu7x:2x2x1
jax: 0.10.2.dev20260603
libtpu: 0.0.44.dev20260713+nightly
codegen_flags: <defaults>
</compile_context>

<pallas_src>
import functools

import jax
import jax.numpy as jnp
from jax import lax
from jax.experimental import pallas as pl
from jax.experimental.pallas import tpu as pltpu
from jax.experimental.pallas import tpu_sc as plsc

_B = 4096
_F = 26
_V = 100000
_D = 32
_NC, _NS = 2, 16
_NW = _NC * _NS
_RPW = _B // _NW
_LPW = _RPW * _F
_EPW = _LPW * _D
_CH = 128
_SEG = 4 * _CH
_NSEG = 32


@functools.cache
def _build_sc_gather():
    mesh = plsc.VectorSubcoreMesh(core_axis_name="c", subcore_axis_name="s",
                                  num_cores=_NC, num_subcores=_NS)
    return functools.partial(
        pl.kernel,
        out_type=jax.ShapeDtypeStruct((_B * _F * _D,), jnp.float32),
        mesh=mesh,
        scratch_types=[
            pltpu.VMEM((_LPW,), jnp.int32),
            pltpu.VMEM((_NSEG * _SEG,), jnp.int32),
            pltpu.VMEM((_EPW,), jnp.float32),
            pltpu.SemaphoreType.DMA,
        ],
        compiler_params=pltpu.CompilerParams(use_tc_tiling_on_sc=False),
    )(_sc_gather_body)


def _sc_gather_body(emb_hbm, cat_hbm, out_hbm, cat_v, ring_v, val_v, sem):
    wid = lax.axis_index("s") * _NC + lax.axis_index("c")
    base = wid * _LPW
    pltpu.sync_copy(cat_hbm.at[pl.ds(base, _LPW)], cat_v)

    lane = lax.iota(jnp.int32, 16)
    laneV = lane * _V

    def chunk_copy(c, slot):
        return pltpu.make_async_copy(
            emb_hbm.at[ring_v.at[pl.ds(slot * _CH, _CH)]],
            val_v.at[pl.ds(c * _CH, _CH)],
            sem,
        )

    n_outer = _LPW // 16

    def outer(i, _):
        seg = lax.rem(i, _NSEG)

        @pl.when(i >= _NSEG)
        def _wait_prev():
            prev = i - _NSEG
            pseg = lax.rem(prev, _NSEG)
            for k in range(4):
                chunk_copy(prev * 4 + k, pseg * 4 + k).wait()

        cat16 = cat_v[pl.ds(i * 16, 16)]
        f16 = (i * 16 + lane) % _F
        base16 = f16 * (_D * _V) + cat16
        gdn = lax.GatherDimensionNumbers(
            offset_dims=(), collapsed_slice_dims=(0,), start_index_map=(0,))
        for j in range(16):
            bj = lax.gather(base16, jnp.full((16, 1), j, jnp.int32), gdn,
                            slice_sizes=(1,),
                            mode=lax.GatherScatterMode.PROMISE_IN_BOUNDS)
            for h in range(2):
                ring_v[pl.ds(seg * _SEG + j * _D + h * 16, 16)] = (
                    bj + laneV + h * 16 * _V)
        for k in range(4):
            pltpu.async_copy(
                emb_hbm.at[ring_v.at[pl.ds(seg * _SEG + k * _CH, _CH)]],
                val_v.at[pl.ds((i * 4 + k) * _CH, _CH)],
                sem,
            )
        return 0

    lax.fori_loop(0, n_outer, outer, 0)

    def drain(j, _):
        c = (n_outer - _NSEG) * 4 + j
        slot = lax.rem(c, _NSEG * 4)
        chunk_copy(c, slot).wait()
        return 0

    lax.fori_loop(0, _NSEG * 4, drain, 0)
    pltpu.sync_copy(val_v, out_hbm.at[pl.ds(wid * _EPW, _EPW)])


_BT = 1024


def _mlp_body(xe_ref, xc_ref, w0e_ref, w0c_ref, b0_ref, w1_ref, b1_ref,
              w2_ref, b2_ref, w3_ref, b3_ref, o_ref):
    dn = (((1,), (1,)), ((), ()))
    h = lax.dot_general(xe_ref[...], w0e_ref[...], dn,
                        preferred_element_type=jnp.float32)
    h += lax.dot_general(xc_ref[...], w0c_ref[...], dn,
                         preferred_element_type=jnp.float32)
    h = jnp.maximum(h + b0_ref[...], 0.0)
    h = lax.dot_general(h, w1_ref[...], dn, preferred_element_type=jnp.float32)
    h = jnp.maximum(h + b1_ref[...], 0.0)
    h = lax.dot_general(h, w2_ref[...], dn, preferred_element_type=jnp.float32)
    h = jnp.maximum(h + b2_ref[...], 0.0)
    o = lax.dot_general(h, w3_ref[...], dn, preferred_element_type=jnp.float32)
    o_ref[...] = jax.nn.sigmoid(o[:, :1] + b3_ref[0, 0])


def _mlp(x_emb, cont, w0e, w0c, b0, w1, b1, w2, b2, w3, b3):
    grid = (_B // _BT,)
    full = lambda shape: pl.BlockSpec(shape, lambda i: (0, 0))
    return pl.pallas_call(
        _mlp_body,
        grid=grid,
        in_specs=[
            pl.BlockSpec((_BT, _F * _D), lambda i: (i, 0)),
            pl.BlockSpec((_BT, 13), lambda i: (i, 0)),
            full(w0e.shape), full(w0c.shape), full(b0.shape),
            full(w1.shape), full(b1.shape),
            full(w2.shape), full(b2.shape),
            full(w3.shape), full(b3.shape),
        ],
        out_specs=pl.BlockSpec((_BT, 1), lambda i: (i, 0)),
        out_shape=jax.ShapeDtypeStruct((_B, 1), jnp.float32),
    )(x_emb, cont, w0e, w0c, b0, w1, b1, w2, b2, w3, b3)


def kernel(cont_data, cat_data, emb_tables, W0, b0, W1, b1, W2, b2, W3, b3):
    emb_lin = emb_tables.transpose(0, 2, 1).reshape(_F * _D * _V)
    cat_flat = cat_data.reshape(_B * _F)
    x_emb = _build_sc_gather()(emb_lin, cat_flat).reshape(_B, _F * _D)
    w0e = W0[:, : _F * _D]
    w0c = W0[:, _F * _D:]
    w3p = jnp.pad(W3, ((0, 127), (0, 0)))
    return _mlp(x_emb, cont_data,
                w0e, w0c, b0.reshape(1, -1),
                W1, b1.reshape(1, -1),
                W2, b2.reshape(1, -1),
                w3p, b3.reshape(1, -1))

# --- scband reference (transcript-rebuilt; emitter-appended) ---
"""Pipeline reference for scband-fc-net-66975720014439 (READ-ONLY COPY).

The authoritative reference and input builder live on the scoring server;
editing this copy changes nothing except your own understanding.
"""

import jax, jax.numpy as jnp
import numpy as np

B = 4096
F_CAT = 26
V = 100000
D = 32
N_CONT = 13
IN_DIM = F_CAT * D + N_CONT  # 845
SIZES = [1024, 512, 256]
OUT = 1


def setup_inputs(seed: int = 0) -> dict:
    key = jax.random.key(seed)
    ks = jax.random.split(key, 16)
    cont_data = jax.random.normal(ks[0], (B, N_CONT), dtype=jnp.float32)
    cat_data = jax.random.randint(ks[1], (B, F_CAT), 0, V, dtype=jnp.int32)
    # stacked embedding tables (all fields share [V, D])
    emb_tables = jax.random.normal(ks[2], (F_CAT, V, D), dtype=jnp.float32) * 0.05
    # linear layers with kaiming-normal init: std = sqrt(2 / fan_in)
    W0 = jax.random.normal(ks[3], (SIZES[0], IN_DIM), dtype=jnp.float32) * np.sqrt(2.0 / IN_DIM)
    b0 = jnp.zeros((SIZES[0],), dtype=jnp.float32)
    W1 = jax.random.normal(ks[4], (SIZES[1], SIZES[0]), dtype=jnp.float32) * np.sqrt(2.0 / SIZES[0])
    b1 = jnp.zeros((SIZES[1],), dtype=jnp.float32)
    W2 = jax.random.normal(ks[5], (SIZES[2], SIZES[1]), dtype=jnp.float32) * np.sqrt(2.0 / SIZES[1])
    b2 = jnp.zeros((SIZES[2],), dtype=jnp.float32)
    W3 = jax.random.normal(ks[6], (OUT, SIZES[2]), dtype=jnp.float32) * np.sqrt(2.0 / SIZES[2])
    b3 = jnp.zeros((OUT,), dtype=jnp.float32)
    return {
        "cont_data": cont_data,
        "cat_data": cat_data,
        "emb_tables": emb_tables,
        "W0": W0, "b0": b0,
        "W1": W1, "b1": b1,
        "W2": W2, "b2": b2,
        "W3": W3, "b3": b3,
    }


def reference(cont_data, cat_data, emb_tables, W0, b0, W1, b1, W2, b2, W3, b3):
    # per-field embedding lookup: out[b, f, :] = emb_tables[f, cat_data[b, f], :]
    field_idx = jnp.arange(F_CAT)[None, :]
    x_emb = emb_tables[field_idx, cat_data]  # [B, F_CAT, D]
    x_emb = x_emb.reshape(cat_data.shape[0], F_CAT * D)
    x = jnp.concatenate([x_emb, cont_data], axis=1)
    # hidden layers: relu(linear); dropout is identity in eval mode
    x = jax.nn.relu(x @ W0.T + b0)
    x = jax.nn.relu(x @ W1.T + b1)
    x = jax.nn.relu(x @ W2.T + b2)
    x = x @ W3.T + b3
    # output_size == 1 -> sigmoid
    x = jax.nn.sigmoid(x)
    return x

if __name__ == "__main__":
    import jax
    _d = setup_inputs()
    print(jax.jit(kernel)(*tuple(_d.values())))

</pallas_src>

<mosaic_0001>
#map = affine_map<(d0, d1) -> (0)>
module attributes {stable_mosaic.version = 14 : i64} {
  func.func @_sc_gather_body(%arg0: i32, %arg1: i32, %arg2: memref<83200000xf32, #tpu.memory_space<hbm>>, %arg3: memref<106496xi32, #tpu.memory_space<hbm>>, %arg4: memref<3407872xf32, #tpu.memory_space<hbm>>, %arg5: memref<3328xi32, #tpu.memory_space<vmem>>, %arg6: memref<16384xi32, #tpu.memory_space<vmem>>, %arg7: memref<106496xf32, #tpu.memory_space<vmem>>, %arg8: memref<!tpu.dma_semaphore, #tpu.memory_space<semaphore_mem>>) attributes {dimension_semantics = [#tpu.dimension_semantics<core_parallel>, #tpu.dimension_semantics<subcore_parallel>], iteration_bounds = array<i64: 2, 16>, scalar_prefetch = 0 : i64, scratch_operands = 4 : i64, tpu.core_type = #tpu.core_type<sc_vector_subcore>, window_params = [{transform_indices = #map}, {transform_indices = #map}, {transform_indices = #map}]} {
    %mul3A = arith.constant 2 : i32
    %mul3A_0 = arith.muli %arg1, %mul3A : i32
    %add3A = arith.addi %mul3A_0, %arg0 : i32
    %mul3A_1 = arith.constant 3328 : i32
    %mul3A_2 = arith.muli %add3A, %mul3A_1 : i32
    "tpu.region"() ({
      %run_scoped3A = tpu.sem_alloc : memref<!tpu.dma_semaphore, #tpu.memory_space<semaphore_mem>>
      %dma_start3A = tpu.memref_slice %arg3[%mul3A_2] : memref<106496xi32, #tpu.memory_space<hbm>> -> memref<3328xi32, #tpu.memory_space<hbm>>
      %dma_start3A_21 = tpu.memref_slice %arg3[%mul3A_2] : memref<106496xi32, #tpu.memory_space<hbm>> -> memref<3328xi32, #tpu.memory_space<hbm>>
      tpu.enqueue_dma source(%dma_start3A_21 : memref<3328xi32, #tpu.memory_space<hbm>>) target(%arg5 : memref<3328xi32, #tpu.memory_space<vmem>>) target_semaphore(%run_scoped3A : memref<!tpu.dma_semaphore, #tpu.memory_space<semaphore_mem>>)
      %dma_wait3A = tpu.memref_slice %arg3[%mul3A_2] : memref<106496xi32, #tpu.memory_space<hbm>> -> memref<3328xi32, #tpu.memory_space<hbm>>
      %dma_wait3A_22 = tpu.memref_slice %arg3[%mul3A_2] : memref<106496xi32, #tpu.memory_space<hbm>> -> memref<3328xi32, #tpu.memory_space<hbm>>
      tpu.wait_dma2 semaphore(%run_scoped3A : memref<!tpu.dma_semaphore, #tpu.memory_space<semaphore_mem>>) src(%dma_wait3A_22 : memref<3328xi32, #tpu.memory_space<hbm>>) dst(%arg5 : memref<3328xi32, #tpu.memory_space<vmem>>)
      tpu.yield
    }) : () -> ()
    %iota3A = tpu.iota {dimensions = array<i32: 0>} : vector<16xi32>
    %mul3A_3 = arith.constant 100000 : i32
    %mul3A_4 = vector.broadcast %mul3A_3 : i32 to vector<16xi32>
    %mul3A_5 = arith.muli %iota3A, %mul3A_4 : vector<16xi32>
    %scan3A = arith.constant 0 : i32
    %scan3A_6 = arith.constant 0 : i32
    %scan3A_7 = arith.constant 208 : i32
    %scan3A_8 = arith.addi %scan3A_6, %scan3A_7 : i32
    %scan3A_9 = arith.constant 1 : i32
    %scan3A_10 = scf.for %scan3A_21 = %scan3A_6 to %scan3A_8 step %scan3A_9 iter_args(%scan3A_22 = %scan3A) -> (i32)  : i32 {
      %rem3A = arith.constant 32 : i32
      %rem3A_23 = arith.remsi %scan3A_21, %rem3A : i32
      %ge3A = arith.constant 32 : i32
      %ge3A_24 = arith.cmpi sge, %scan3A_21, %ge3A : i32
      %convert_element_type3A = arith.extui %ge3A_24 : i1 to i32
      %cond3A = arith.constant 0 : i32
      %cond3A_25 = arith.cmpi ne, %convert_element_type3A, %cond3A : i32
      scf.if %cond3A_25 {
        %sub3A = arith.constant 32 : i32
        %sub3A_619 = arith.subi %scan3A_21, %sub3A : i32
        %rem3A_620 = arith.constant 32 : i32
        %rem3A_621 = arith.remsi %sub3A_619, %rem3A_620 : i32
        %mul3A_622 = arith.constant 4 : i32
        %mul3A_623 = arith.muli %sub3A_619, %mul3A_622 : i32
        %add3A_624 = arith.constant 0 : i32
        %add3A_625 = arith.addi %mul3A_623, %add3A_624 : i32
        %mul3A_626 = arith.constant 4 : i32
        %mul3A_627 = arith.muli %rem3A_621, %mul3A_626 : i32
        %add3A_628 = arith.constant 0 : i32
        %add3A_629 = arith.addi %mul3A_627, %add3A_628 : i32
        %mul3A_630 = arith.constant 128 : i32
        %mul3A_631 = arith.muli %add3A_629, %mul3A_630 : i32
        %mul3A_632 = arith.constant 128 : i32
        %mul3A_633 = arith.muli %add3A_625, %mul3A_632 : i32
        %dma_wait3A = tpu.memref_slice %arg7[%mul3A_633] : memref<106496xf32, #tpu.memory_space<vmem>> -> memref<128xf32, #tpu.memory_space<vmem>>
        %dma_wait3A_634 = tpu.memref_slice %arg6[%mul3A_631] : memref<16384xi32, #tpu.memory_space<vmem>> -> memref<128xi32, #tpu.memory_space<vmem>>
        %dma_wait3A_635 = arith.constant 0 : i32
        %dma_wait3A_636 = tpu.memref_slice %arg2[%dma_wait3A_635] : memref<83200000xf32, #tpu.memory_space<hbm>> -> memref<83200000xf32, #tpu.memory_space<hbm>>
        tpu.wait_indirect_dma semaphore(%arg8 : memref<!tpu.dma_semaphore, #tpu.memory_space<semaphore_mem>>) src(%dma_wait3A_636 : memref<83200000xf32, #tpu.memory_space<hbm>>) dst(%dma_wait3A : memref<128xf32, #tpu.memory_space<vmem>>)
        %mul3A_637 = arith.constant 4 : i32
        %mul3A_638 = arith.muli %sub3A_619, %mul3A_637 : i32
        %add3A_639 = arith.constant 1 : i32
        %add3A_640 = arith.addi %mul3A_638, %add3A_639 : i32
        %mul3A_641 = arith.constant 4 : i32
        %mul3A_642 = arith.muli %rem3A_621, %mul3A_641 : i32
        %add3A_643 = arith.constant 1 : i32
        %add3A_644 = arith.addi %mul3A_642, %add3A_643 : i32
        %mul3A_645 = arith.constant 128 : i32
        %mul3A_646 = arith.muli %add3A_644, %mul3A_645 : i32
        %mul3A_647 = arith.constant 128 : i32
        %mul3A_648 = arith.muli %add3A_640, %mul3A_647 : i32
        %dma_wait3A_649 = tpu.memref_slice %arg7[%mul3A_648] : memref<106496xf32, #tpu.memory_space<vmem>> -> memref<128xf32, #tpu.memory_space<vmem>>
        %dma_wait3A_650 = tpu.memref_slice %arg6[%mul3A_646] : memref<16384xi32, #tpu.memory_space<vmem>> -> memref<128xi32, #tpu.memory_space<vmem>>
        %dma_wait3A_651 = arith.constant 0 : i32
        %dma_wait3A_652 = tpu.memref_slice %arg2[%dma_wait3A_651] : memref<83200000xf32, #tpu.memory_space<hbm>> -> memref<83200000xf32, #tpu.memory_space<hbm>>
        tpu.wait_indirect_dma semaphore(%arg8 : memref<!tpu.dma_semaphore, #tpu.memory_space<semaphore_mem>>) src(%dma_wait3A_652 : memref<83200000xf32, #tpu.memory_space<hbm>>) dst(%dma_wait3A_649 : memref<128xf32, #tpu.memory_space<vmem>>)
        %mul3A_653 = arith.constant 4 : i32
        %mul3A_654 = arith.muli %sub3A_619, %mul3A_653 : i32
        %add3A_655 = arith.constant 2 : i32
        %add3A_656 = arith.addi %mul3A_654, %add3A_655 : i32
        %mul3A_657 = arith.constant 4 : i32
        %mul3A_658 = arith.muli %rem3A_621, %mul3A_657 : i32
        %add3A_659 = arith.constant 2 : i32
        %add3A_660 = arith.addi %mul3A_658, %add3A_659 : i32
        %mul3A_661 = arith.constant 128 : i32
        %mul3A_662 = arith.muli %add3A_660, %mul3A_661 : i32
        %mul3A_663 = arith.constant 128 : i32
        %mul3A_664 = arith.muli %add3A_656, %mul3A_663 : i32
        %dma_wait3A_665 = tpu.memref_slice %arg7[%mul3A_664] : memref<106496xf32, #tpu.memory_space<vmem>> -> memref<128xf32, #tpu.memory_space<vmem>>
        %dma_wait3A_666 = tpu.memref_slice %arg6[%mul3A_662] : memref<16384xi32, #tpu.memory_space<vmem>> -> memref<128xi32, #tpu.memory_space<vmem>>
        %dma_wait3A_667 = arith.constant 0 : i32
        %dma_wait3A_668 = tpu.memref_slice %arg2[%dma_wait3A_667] : memref<83200000xf32, #tpu.memory_space<hbm>> -> memref<83200000xf32, #tpu.memory_space<hbm>>
        tpu.wait_indirect_dma semaphore(%arg8 : memref<!tpu.dma_semaphore, #tpu.memory_space<semaphore_mem>>) src(%dma_wait3A_668 : memref<83200000xf32, #tpu.memory_space<hbm>>) dst(%dma_wait3A_665 : memref<128xf32, #tpu.memory_space<vmem>>)
        %mul3A_669 = arith.constant 4 : i32
        %mul3A_670 = arith.muli %sub3A_619, %mul3A_669 : i32
        %add3A_671 = arith.constant 3 : i32
        %add3A_672 = arith.addi %mul3A_670, %add3A_671 : i32
        %mul3A_673 = arith.constant 4 : i32
        %mul3A_674 = arith.muli %rem3A_621, %mul3A_673 : i32
        %add3A_675 = arith.constant 3 : i32
        %add3A_676 = arith.addi %mul3A_674, %add3A_675 : i32
        %mul3A_677 = arith.constant 128 : i32
        %mul3A_678 = arith.muli %add3A_676, %mul3A_677 : i32
        %mul3A_679 = arith.constant 128 : i32
        %mul3A_680 = arith.muli %add3A_672, %mul3A_679 : i32
        %dma_wait3A_681 = tpu.memref_slice %arg7[%mul3A_680] : memref<106496xf32, #tpu.memory_space<vmem>> -> memref<128xf32, #tpu.memory_space<vmem>>
        %dma_wait3A_682 = tpu.memref_slice %arg6[%mul3A_678] : memref<16384xi32, #tpu.memory_space<vmem>> -> memref<128xi32, #tpu.memory_space<vmem>>
        %dma_wait3A_683 = arith.constant 0 : i32
        %dma_wait3A_684 = tpu.memref_slice %arg2[%dma_wait3A_683] : memref<83200000xf32, #tpu.memory_space<hbm>> -> memref<83200000xf32, #tpu.memory_space<hbm>>
        tpu.wait_indirect_dma semaphore(%arg8 : memref<!tpu.dma_semaphore, #tpu.memory_space<semaphore_mem>>) src(%dma_wait3A_684 : memref<83200000xf32, #tpu.memory_space<hbm>>) dst(%dma_wait3A_681 : memref<128xf32, #tpu.memory_space<vmem>>)
      } else {
      }
      %mul3A_26 = arith.constant 16 : i32
      %mul3A_27 = arith.muli %scan3A_21, %mul3A_26 : i32
      %get3A = arith.index_cast %mul3A_27 : i32 to index
      %get3A_28 = tpu.vector_load %arg5[%get3A] {strides = array<i32>} : memref<3328xi32, #tpu.memory_space<vmem>>, vector<16xi32>,
      %get3A_29 = vector.shape_cast %get3A_28 : vector<16xi32> to vector<16xi32>
      %mul3A_30 = arith.constant 16 : i32
      %mul3A_31 = arith.muli %scan3A_21, %mul3A_30 : i32
      %add3A_32 = vector.broadcast %mul3A_31 : i32 to vector<16xi32>
      %add3A_33 = arith.addi %add3A_32, %iota3A : vector<16xi32>
      %jit3A = arith.constant 26 : i32
      %eq3A = arith.constant 0 : i32
      %eq3A_34 = arith.cmpi eq, %jit3A, %eq3A : i32
      %jit3A_35 = arith.constant 1 : i32
      %select_n3A = arith.select %eq3A_34, %jit3A_35, %jit3A : i32
      %rem3A_36 = vector.broadcast %select_n3A : i32 to vector<16xi32>
      %rem3A_37 = arith.remsi %add3A_33, %rem3A_36 : vector<16xi32>
      %ne3A = arith.constant 0 : i32
      %ne3A_38 = vector.broadcast %ne3A : i32 to vector<16xi32>
      %ne3A_39 = arith.cmpi ne, %rem3A_37, %ne3A_38 : vector<16xi32>
      %lt3A = arith.constant 0 : i32
      %lt3A_40 = vector.broadcast %lt3A : i32 to vector<16xi32>
      %lt3A_41 = arith.cmpi slt, %rem3A_37, %lt3A_40 : vector<16xi32>
      %lt3A_42 = arith.constant 0 : i32
      %lt3A_43 = arith.cmpi slt, %select_n3A, %lt3A_42 : i32
      %ne3A_44 = vector.broadcast %lt3A_43 : i1 to vector<16xi1>
      %ne3A_45 = vector.broadcast %ne3A_44 : vector<16xi1> to vector<16xi1>
      %ne3A_46 = arith.xori %lt3A_41, %ne3A_45 : vector<16xi1>
      %and3A = arith.andi %ne3A_46, %ne3A_39 : vector<16xi1>
      %add3A_47 = vector.broadcast %select_n3A : i32 to vector<16xi32>
      %add3A_48 = arith.addi %rem3A_37, %add3A_47 : vector<16xi32>
      %select_n3A_49 = arith.select %and3A, %add3A_48, %rem3A_37 : vector<16xi1>, vector<16xi32>
      %mul3A_50 = arith.constant 3200000 : i32
      %mul3A_51 = vector.broadcast %mul3A_50 : i32 to vector<16xi32>
      %mul3A_52 = arith.muli %select_n3A_49, %mul3A_51 : vector<16xi32>
      %add3A_53 = arith.addi %mul3A_52, %get3A_29 : vector<16xi32>
      %broadcast_in_dim3A = arith.constant 0 : i32
      %broadcast_in_dim3A_54 = vector.broadcast %broadcast_in_dim3A : i32 to vector<16x1xi32>
      %gather3A = vector.shape_cast %broadcast_in_dim3A_54 : vector<16x1xi32> to vector<16xi32>
      %gather3A_55 = tpu.dynamic_gather %add3A_53[%gather3A] in [0] : vector<16xi32>, vector<16xi32> -> vector<16xi32>
      %add3A_56 = arith.addi %gather3A_55, %mul3A_5 : vector<16xi32>
      %add3A_57 = arith.constant 0 : i32
      %add3A_58 = vector.broadcast %add3A_57 : i32 to vector<16xi32>
      %add3A_59 = arith.addi %add3A_56, %add3A_58 : vector<16xi32>
      %mul3A_60 = arith.constant 512 : i32
      %mul3A_61 = arith.muli %rem3A_23, %mul3A_60 : i32
      %add3A_62 = arith.constant 0 : i32
      %add3A_63 = arith.addi %mul3A_61, %add3A_62 : i32
      %add3A_64 = arith.constant 0 : i32
      %add3A_65 = arith.addi %add3A_63, %add3A_64 : i32
      %swap3A = arith.index_cast %add3A_65 : i32 to index
      %swap3A_66 = tpu.vector_load %arg6[%swap3A] {strides = array<i32>} : memref<16384xi32, #tpu.memory_space<vmem>>, vector<16xi32>,
      %swap3A_67 = vector.shape_cast %swap3A_66 : vector<16xi32> to vector<16xi32>
      %swap3A_68 = vector.shape_cast %add3A_59 : vector<16xi32> to vector<16xi32>
      tpu.vector_store %arg6[%swap3A], %swap3A_68 {strides = array<i32>} : memref<16384xi32, #tpu.memory_space<vmem>>, vector<16xi32>,
      %add3A_69 = arith.addi %gather3A_55, %mul3A_5 : vector<16xi32>
      %add3A_70 = arith.constant 1600000 : i32
      %add3A_71 = vector.broadcast %add3A_70 : i32 to vector<16xi32>
      %add3A_72 = arith.addi %add3A_69, %add3A_71 : vector<16xi32>
      %mul3A_73 = arith.constant 512 : i32
      %mul3A_74 = arith.muli %rem3A_23, %mul3A_73 : i32
      %add3A_75 = arith.constant 0 : i32
      %add3A_76 = arith.addi %mul3A_74, %add3A_75 : i32
      %add3A_77 = arith.constant 16 : i32
      %add3A_78 = arith.addi %add3A_76, %add3A_77 : i32
      %swap3A_79 = arith.index_cast %add3A_78 : i32 to index
      %swap3A_80 = tpu.vector_load %arg6[%swap3A_79] {strides = array<i32>} : memref<16384xi32, #tpu.memory_space<vmem>>, vector<16xi32>,
      %swap3A_81 = vector.shape_cast %swap3A_80 : vector<16xi32> to vector<16xi32>
      %swap3A_82 = vector.shape_cast %add3A_72 : vector<16xi32> to vector<16xi32>
      tpu.vector_store %arg6[%swap3A_79], %swap3A_82 {strides = array<i32>} : memref<16384xi32, #tpu.memory_space<vmem>>, vector<16xi32>,
      %broadcast_in_dim3A_83 = arith.constant 1 : i32
      %broadcast_in_dim3A_84 = vector.broadcast %broadcast_in_dim3A_83 : i32 to vector<16x1xi32>
      %gather3A_85 = vector.shape_cast %broadcast_in_dim3A_84 : vector<16x1xi32> to vector<16xi32>
      %gather3A_86 = tpu.dynamic_gather %add3A_53[%gather3A_85] in [0] : vector<16xi32>, vector<16xi32> -> vector<16xi32>
      %add3A_87 = arith.addi %gather3A_86, %mul3A_5 : vector<16xi32>
      %add3A_88 = arith.constant 0 : i32
      %add3A_89 = vector.broadcast %add3A_88 : i32 to vector<16xi32>
      %add3A_90 = arith.addi %add3A_87, %add3A_89 : vector<16xi32>
      %mul3A_91 = arith.constant 512 : i32
      %mul3A_92 = arith.muli %rem3A_23, %mul3A_91 : i32
      %add3A_93 = arith.constant 32 : i32
      %add3A_94 = arith.addi %mul3A_92, %add3A_93 : i32
      %add3A_95 = arith.constant 0 : i32
      %add3A_96 = arith.addi %add3A_94, %add3A_95 : i32
      %swap3A_97 = arith.index_cast %add3A_96 : i32 to index
      %swap3A_98 = tpu.vector_load %arg6[%swap3A_97] {strides = array<i32>} : memref<16384xi32, #tpu.memory_space<vmem>>, vector<16xi32>,
      %swap3A_99 = vector.shape_cast %swap3A_98 : vector<16xi32> to vector<16xi32>
      %swap3A_100 = vector.shape_cast %add3A_90 : vector<16xi32> to vector<16xi32>
      tpu.vector_store %arg6[%swap3A_97], %swap3A_100 {strides = array<i32>} : memref<16384xi32, #tpu.memory_space<vmem>>, vector<16xi32>,
      %add3A_101 = arith.addi %gather3A_86, %mul3A_5 : vector<16xi32>
      %add3A_102 = arith.constant 1600000 : i32
      %add3A_103 = vector.broadcast %add3A_102 : i32 to vector<16xi32>
      %add3A_104 = arith.addi %add3A_101, %add3A_103 : vector<16xi32>
      %mul3A_105 = arith.constant 512 : i32
      %mul3A_106 = arith.muli %rem3A_23, %mul3A_105 : i32
      %add3A_107 = arith.constant 32 : i32
      %add3A_108 = arith.addi %mul3A_106, %add3A_107 : i32
      %add3A_109 = arith.constant 16 : i32
      %add3A_110 = arith.addi %add3A_108, %add3A_109 : i32
      %swap3A_111 = arith.index_cast %add3A_110 : i32 to index
      %swap3A_112 = tpu.vector_load %arg6[%swap3A_111] {strides = array<i32>} : memref<16384xi32, #tpu.memory_space<vmem>>, vector<16xi32>,
      %swap3A_113 = vector.shape_cast %swap3A_112 : vector<16xi32> to vector<16xi32>
      %swap3A_114 = vector.shape_cast %add3A_104 : vector<16xi32> to vector<16xi32>
      tpu.vector_store %arg6[%swap3A_111], %swap3A_114 {strides = array<i32>} : memref<16384xi32, #tpu.memory_space<vmem>>, vector<16xi32>,
      %broadcast_in_dim3A_115 = arith.constant 2 : i32
      %broadcast_in_dim3A_116 = vector.broadcast %broadcast_in_dim3A_115 : i32 to vector<16x1xi32>
      %gather3A_117 = vector.shape_cast %broadcast_in_dim3A_116 : vector<16x1xi32> to vector<16xi32>
      %gather3A_118 = tpu.dynamic_gather %add3A_53[%gather3A_117] in [0] : vector<16xi32>, vector<16xi32> -> vector<16xi32>
      %add3A_119 = arith.addi %gather3A_118, %mul3A_5 : vector<16xi32>
      %add3A_120 = arith.constant 0 : i32
      %add3A_121 = vector.broadcast %add3A_120 : i32 to vector<16xi32>
      %add3A_122 = arith.addi %add3A_119, %add3A_121 : vector<16xi32>
      %mul3A_123 = arith.constant 512 : i32
      %mul3A_124 = arith.muli %rem3A_23, %mul3A_123 : i32
      %add3A_125 = arith.constant 64 : i32
      %add3A_126 = arith.addi %mul3A_124, %add3A_125 : i32
      %add3A_127 = arith.constant 0 : i32
      %add3A_128 = arith.addi %add3A_126, %add3A_127 : i32
      %swap3A_129 = arith.index_cast %add3A_128 : i32 to index
      %swap3A_130 = tpu.vector_load %arg6[%swap3A_129] {strides = array<i32>} : memref<16384xi32, #tpu.memory_space<vmem>>, vector<16xi32>,
      %swap3A_131 = vector.shape_cast %swap3A_130 : vector<16xi32> to vector<16xi32>
      %swap3A_132 = vector.shape_cast %add3A_122 : vector<16xi32> to vector<16xi32>
      tpu.vector_store %arg6[%swap3A_129], %swap3A_132 {strides = array<i32>} : memref<16384xi32, #tpu.memory_space<vmem>>, vector<16xi32>,
      %add3A_133 = arith.addi %gather3A_118, %mul3A_5 : vector<16xi32>
      %add3A_134 = arith.constant 1600000 : i32
      %add3A_135 = vector.broadcast %add3A_134 : i32 to vector<16xi32>
      %add3A_136 = arith.addi %add3A_133, %add3A_135 : vector<16xi32>
      %mul3A_137 = arith.constant 512 : i32
      %mul3A_138 = arith.muli %rem3A_23, %mul3A_137 : i32
      %add3A_139 = arith.constant 64 : i32
      %add3A_140 = arith.addi %mul3A_138, %add3A_139 : i32
      %add3A_141 = arith.constant 16 : i32
      %add3A_142 = arith.addi %add3A_140, %add3A_141 : i32
      %swap3A_143 = arith.index_cast %add3A_142 : i32 to index
      %swap3A_144 = tpu.vector_load %arg6[%swap3A_143] {strides = array<i32>} : memref<16384xi32, #tpu.memory_space<vmem>>, vector<16xi32>,
      %swap3A_145 = vector.shape_cast %swap3A_144 : vector<16xi32> to vector<16xi32>
      %swap3A_146 = vector.shape_cast %add3A_136 : vector<16xi32> to vector<16xi32>
      tpu.vector_store %arg6[%swap3A_143], %swap3A_146 {strides = array<i32>} : memref<16384xi32, #tpu.memory_space<vmem>>, vector<16xi32>,
      %broadcast_in_dim3A_147 = arith.constant 3 : i32
      %broadcast_in_dim3A_148 = vector.broadcast %broadcast_in_dim3A_147 : i32 to vector<16x1xi32>
      %gather3A_149 = vector.shape_cast %broadcast_in_dim3A_148 : vector<16x1xi32> to vector<16xi32>
      %gather3A_150 = tpu.dynamic_gather %add3A_53[%gather3A_149] in [0] : vector<16xi32>, vector<16xi32> -> vector<16xi32>
      %add3A_151 = arith.addi %gather3A_150, %mul3A_5 : vector<16xi32>
      %add3A_152 = arith.constant 0 : i32
      %add3A_153 = vector.broadcast %add3A_152 : i32 to vector<16xi32>
      %add3A_154 = arith.addi %add3A_151, %add3A_153 : vector<16xi32>
      %mul3A_155 = arith.constant 512 : i32
      %mul3A_156 = arith.muli %rem3A_23, %mul3A_155 : i32
      %add3A_157 = arith.constant 96 : i32
      %add3A_158 = arith.addi %mul3A_156, %add3A_157 : i32
      %add3A_159 = arith.constant 0 : i32
      %add3A_160 = arith.addi %add3A_158, %add3A_159 : i32
      %swap3A_161 = arith.index_cast %add3A_160 : i32 to index
      %swap3A_162 = tpu.vector_load %arg6[%swap3A_161] {strides = array<i32>} : memref<16384xi32, #tpu.memory_space<vmem>>, vector<16xi32>,
      %swap3A_163 = vector.shape_cast %swap3A_162 : vector<16xi32> to vector<16xi32>
      %swap3A_164 = vector.shape_cast %add3A_154 : vector<16xi32> to vector<16xi32>
      tpu.vector_store %arg6[%swap3A_161], %swap3A_164 {strides = array<i32>} : memref<16384xi32, #tpu.memory_space<vmem>>, vector<16xi32>,
      %add3A_165 = arith.addi %gather3A_150, %mul3A_5 : vector<16xi32>
      %add3A_166 = arith.constant 1600000 : i32
      %add3A_167 = vector.broadcast %add3A_166 : i32 to vector<16xi32>
      %add3A_168 = arith.addi %add3A_165, %add3A_167 : vector<16xi32>
      %mul3A_169 = arith.constant 512 : i32
      %mul3A_170 = arith.muli %rem3A_23, %mul3A_169 : i32
      %add3A_171 = arith.constant 96 : i32
      %add3A_172 = arith.addi %mul3A_170, %add3A_171 : i32
      %add3A_173 = arith.constant 16 : i32
      %add3A_174 = arith.addi %add3A_172, %add3A_173 : i32
      %swap3A_175 = arith.index_cast %add3A_174 : i32 to index
      %swap3A_176 = tpu.vector_load %arg6[%swap3A_175] {strides = array<i32>} : memref<16384xi32, #tpu.memory_space<vmem>>, vector<16xi32>,
      %swap3A_177 = vector.shape_cast %swap3A_176 : vector<16xi32> to vector<16xi32>
      %swap3A_178 = vector.shape_cast %add3A_168 : vector<16xi32> to vector<16xi32>
      tpu.vector_store %arg6[%swap3A_175], %swap3A_178 {strides = array<i32>} : memref<16384xi32, #tpu.memory_space<vmem>>, vector<16xi32>,
      %broadcast_in_dim3A_179 = arith.constant 4 : i32
      %broadcast_in_dim3A_180 = vector.broadcast %broadcast_in_dim3A_179 : i32 to vector<16x1xi32>
      %gather3A_181 = vector.shape_cast %broadcast_in_dim3A_180 : vector<16x1xi32> to vector<16xi32>
      %gather3A_182 = tpu.dynamic_gather %add3A_53[%gather3A_181] in [0] : vector<16xi32>, vector<16xi32> -> vector<16xi32>
      %add3A_183 = arith.addi %gather3A_182, %mul3A_5 : vector<16xi32>
      %add3A_184 = arith.constant 0 : i32
      %add3A_185 = vector.broadcast %add3A_184 : i32 to vector<16xi32>
      %add3A_186 = arith.addi %add3A_183, %add3A_185 : vector<16xi32>
      %mul3A_187 = arith.constant 512 : i32
      %mul3A_188 = arith.muli %rem3A_23, %mul3A_187 : i32
      %add3A_189 = arith.constant 128 : i32
      %add3A_190 = arith.addi %mul3A_188, %add3A_189 : i32
      %add3A_191 = arith.constant 0 : i32
      %add3A_192 = arith.addi %add3A_190, %add3A_191 : i32
      %swap3A_193 = arith.index_cast %add3A_192 : i32 to index
      %swap3A_194 = tpu.vector_load %arg6[%swap3A_193] {strides = array<i32>} : memref<16384xi32, #tpu.memory_space<vmem>>, vector<16xi32>,
      %swap3A_195 = vector.shape_cast %swap3A_194 : vector<16xi32> to vector<16xi32>
      %swap3A_196 = vector.shape_cast %add3A_186 : vector<16xi32> to vector<16xi32>
      tpu.vector_store %arg6[%swap3A_193], %swap3A_196 {strides = array<i32>} : memref<16384xi32, #tpu.memory_space<vmem>>, vector<16xi32>,
      %add3A_197 = arith.addi %gather3A_182, %mul3A_5 : vector<16xi32>
      %add3A_198 = arith.constant 1600000 : i32
      %add3A_199 = vector.broadcast %add3A_198 : i32 to vector<16xi32>
      %add3A_200 = arith.addi %add3A_197, %add3A_199 : vector<16xi32>
      %mul3A_201 = arith.constant 512 : i32
      %mul3A_202 = arith.muli %rem3A_23, %mul3A_201 : i32
      %add3A_203 = arith.constant 128 : i32
      %add3A_204 = arith.addi %mul3A_202, %add3A_203 : i32
      %add3A_205 = arith.constant 16 : i32
      %add3A_206 = arith.addi %add3A_204, %add3A_205 : i32
      %swap3A_207 = arith.index_cast %add3A_206 : i32 to index
      %swap3A_208 = tpu.vector_load %arg6[%swap3A_207] {strides = array<i32>} : memref<16384xi32, #tpu.memory_space<vmem>>, vector<16xi32>,
      %swap3A_209 = vector.shape_cast %swap3A_208 : vector<16xi32> to vector<16xi32>
      %swap3A_210 = vector.shape_cast %add3A_200 : vector<16xi32> to vector<16xi32>
      tpu.vector_store %arg6[%swap3A_207], %swap3A_210 {strides = array<i32>} : memref<16384xi32, #tpu.memory_space<vmem>>, vector<16xi32>,
      %broadcast_in_dim3A_211 = arith.constant 5 : i32
      %broadcast_in_dim3A_212 = vector.broadcast %broadcast_in_dim3A_211 : i32 to vector<16x1xi32>
      %gather3A_213 = vector.shape_cast %broadcast_in_dim3A_212 : vector<16x1xi32> to vector<16xi32>
      %gather3A_214 = tpu.dynamic_gather %add3A_53[%gather3A_213] in [0] : vector<16xi32>, vector<16xi32> -> vector<16xi32>
      %add3A_215 = arith.addi %gather3A_214, %mul3A_5 : vector<16xi32>
      %add3A_216 = arith.constant 0 : i32
      %add3A_217 = vector.broadcast %add3A_216 : i32 to vector<16xi32>
      %add3A_218 = arith.addi %add3A_215, %add3A_217 : vector<16xi32>
      %mul3A_219 = arith.constant 512 : i32
      %mul3A_220 = arith.muli %rem3A_23, %mul3A_219 : i32
      %add3A_221 = arith.constant 160 : i32
      %add3A_222 = arith.addi %mul3A_220, %add3A_221 : i32
      %add3A_223 = arith.constant 0 : i32
      %add3A_224 = arith.addi %add3A_222, %add3A_223 : i32
      %swap3A_225 = arith.index_cast %add3A_224 : i32 to index
      %swap3A_226 = tpu.vector_load %arg6[%swap3A_225] {strides = array<i32>} : memref<16384xi32, #tpu.memory_space<vmem>>, vector<16xi32>,
      %swap3A_227 = vector.shape_cast %swap3A_226 : vector<16xi32> to vector<16xi32>
      %swap3A_228 = vector.shape_cast %add3A_218 : vector<16xi32> to vector<16xi32>
      tpu.vector_store %arg6[%swap3A_225], %swap3A_228 {strides = array<i32>} : memref<16384xi32, #tpu.memory_space<vmem>>, vector<16xi32>,
      %add3A_229 = arith.addi %gather3A_214, %mul3A_5 : vector<16xi32>
      %add3A_230 = arith.constant 1600000 : i32
      %add3A_231 = vector.broadcast %add3A_230 : i32 to vector<16xi32>
      %add3A_232 = arith.addi %add3A_229, %add3A_231 : vector<16xi32>
      %mul3A_233 = arith.constant 512 : i32
      %mul3A_234 = arith.muli %rem3A_23, %mul3A_233 : i32
      %add3A_235 = arith.constant 160 : i32
      %add3A_236 = arith.addi %mul3A_234, %add3A_235 : i32
      %add3A_237 = arith.constant 16 : i32
      %add3A_238 = arith.addi %add3A_236, %add3A_237 : i32
      %swap3A_239 = arith.index_cast %add3A_238 : i32 to index
      %swap3A_240 = tpu.vector_load %arg6[%swap3A_239] {strides = array<i32>} : memref<16384xi32, #tpu.memory_space<vmem>>, vector<16xi32>,
      %swap3A_241 = vector.shape_cast %swap3A_240 : vector<16xi32> to vector<16xi32>
      %swap3A_242 = vector.shape_cast %add3A_232 : vector<16xi32> to vector<16xi32>
      tpu.vector_store %arg6[%swap3A_239], %swap3A_242 {strides = array<i32>} : memref<16384xi32, #tpu.memory_space<vmem>>, vector<16xi32>,
      %broadcast_in_dim3A_243 = arith.constant 6 : i32
      %broadcast_in_dim3A_244 = vector.broadcast %broadcast_in_dim3A_243 : i32 to vector<16x1xi32>
      %gather3A_245 = vector.shape_cast %broadcast_in_dim3A_244 : vector<16x1xi32> to vector<16xi32>
      %gather3A_246 = tpu.dynamic_gather %add3A_53[%gather3A_245] in [0] : vector<16xi32>, vector<16xi32> -> vector<16xi32>
      %add3A_247 = arith.addi %gather3A_246, %mul3A_5 : vector<16xi32>
      %add3A_248 = arith.constant 0 : i32
      %add3A_249 = vector.broadcast %add3A_248 : i32 to vector<16xi32>
      %add3A_250 = arith.addi %add3A_247, %add3A_249 : vector<16xi32>
      %mul3A_251 = arith.constant 512 : i32
      %mul3A_252 = arith.muli %rem3A_23, %mul3A_251 : i32
      %add3A_253 = arith.constant 192 : i32
      %add3A_254 = arith.addi %mul3A_252, %add3A_253 : i32
      %add3A_255 = arith.constant 0 : i32
      %add3A_256 = arith.addi %add3A_254, %add3A_255 : i32
      %swap3A_257 = arith.index_cast %add3A_256 : i32 to index
      %swap3A_258 = tpu.vector_load %arg6[%swap3A_257] {strides = array<i32>} : memref<16384xi32, #tpu.memory_space<vmem>>, vector<16xi32>,
      %swap3A_259 = vector.shape_cast %swap3A_258 : vector<16xi32> to vector<16xi32>
      %swap3A_260 = vector.shape_cast %add3A_250 : vector<16xi32> to vector<16xi32>
      tpu.vector_store %arg6[%swap3A_257], %swap3A_260 {strides = array<i32>} : memref<16384xi32, #tpu.memory_space<vmem>>, vector<16xi32>,
      %add3A_261 = arith.addi %gather3A_246, %mul3A_5 : vector<16xi32>
      %add3A_262 = arith.constant 1600000 : i32
      %add3A_263 = vector.broadcast %add3A_262 : i32 to vector<16xi32>
      %add3A_264 = arith.addi %add3A_261, %add3A_263 : vector<16xi32>
      %mul3A_265 = arith.constant 512 : i32
      %mul3A_266 = arith.muli %rem3A_23, %mul3A_265 : i32
      %add3A_267 = arith.constant 192 : i32
      %add3A_268 = arith.addi %mul3A_266, %add3A_267 : i32
      %add3A_269 = arith.constant 16 : i32
      %add3A_270 = arith.addi %add3A_268, %add3A_269 : i32
      %swap3A_271 = arith.index_cast %add3A_270 : i32 to index
      %swap3A_272 = tpu.vector_load %arg6[%swap3A_271] {strides = array<i32>} : memref<16384xi32, #tpu.memory_space<vmem>>, vector<16xi32>,
      %swap3A_273 = vector.shape_cast %swap3A_272 : vector<16xi32> to vector<16xi32>
      %swap3A_274 = vector.shape_cast %add3A_264 : vector<16xi32> to vector<16xi32>
      tpu.vector_store %arg6[%swap3A_271], %swap3A_274 {strides = array<i32>} : memref<16384xi32, #tpu.memory_space<vmem>>, vector<16xi32>,
      %broadcast_in_dim3A_275 = arith.constant 7 : i32
      %broadcast_in_dim3A_276 = vector.broadcast %broadcast_in_dim3A_275 : i32 to vector<16x1xi32>
      %gather3A_277 = vector.shape_cast %broadcast_in_dim3A_276 : vector<16x1xi32> to vector<16xi32>
      %gather3A_278 = tpu.dynamic_gather %add3A_53[%gather3A_277] in [0] : vector<16xi32>, vector<16xi32> -> vector<16xi32>
      %add3A_279 = arith.addi %gather3A_278, %mul3A_5 : vector<16xi32>
      %add3A_280 = arith.constant 0 : i32
      %add3A_281 = vector.broadcast %add3A_280 : i32 to vector<16xi32>
      %add3A_282 = arith.addi %add3A_279, %add3A_281 : vector<16xi32>
      %mul3A_283 = arith.constant 512 : i32
      %mul3A_284 = arith.muli %rem3A_23, %mul3A_283 : i32
      %add3A_285 = arith.constant 224 : i32
      %add3A_286 = arith.addi %mul3A_284, %add3A_285 : i32
      %add3A_287 = arith.constant 0 : i32
      %add3A_288 = arith.addi %add3A_286, %add3A_287 : i32
      %swap3A_289 = arith.index_cast %add3A_288 : i32 to index
      %swap3A_290 = tpu.vector_load %arg6[%swap3A_289] {strides = array<i32>} : memref<16384xi32, #tpu.memory_space<vmem>>, vector<16xi32>,
      %swap3A_291 = vector.shape_cast %swap3A_290 : vector<16xi32> to vector<16xi32>
      %swap3A_292 = vector.shape_cast %add3A_282 : vector<16xi32> to vector<16xi32>
      tpu.vector_store %arg6[%swap3A_289], %swap3A_292 {strides = array<i32>} : memref<16384xi32, #tpu.memory_space<vmem>>, vector<16xi32>,
      %add3A_293 = arith.addi %gather3A_278, %mul3A_5 : vector<16xi32>
      %add3A_294 = arith.constant 1600000 : i32
      %add3A_295 = vector.broadcast %add3A_294 : i32 to vector<16xi32>
      %add3A_296 = arith.addi %add3A_293, %add3A_295 : vector<16xi32>
      %mul3A_297 = arith.constant 512 : i32
      %mul3A_298 = arith.muli %rem3A_23, %mul3A_297 : i32
      %add3A_299 = arith.constant 224 : i32
      %add3A_300 = arith.addi %mul3A_298, %add3A_299 : i32
      %add3A_301 = arith.constant 16 : i32
      %add3A_302 = arith.addi %add3A_300, %add3A_301 : i32
      %swap3A_303 = arith.index_cast %add3A_302 : i32 to index
      %swap3A_304 = tpu.vector_load %arg6[%swap3A_303] {strides = array<i32>} : memref<16384xi32, #tpu.memory_space<vmem>>, vector<16xi32>,
      %swap3A_305 = vector.shape_cast %swap3A_304 : vector<16xi32> to vector<16xi32>
      %swap3A_306 = vector.shape_cast %add3A_296 : vector<16xi32> to vector<16xi32>
      tpu.vector_store %arg6[%swap3A_303], %swap3A_306 {strides = array<i32>} : memref<16384xi32, #tpu.memory_space<vmem>>, vector<16xi32>,
      %broadcast_in_dim3A_307 = arith.constant 8 : i32
      %broadcast_in_dim3A_308 = vector.broadcast %broadcast_in_dim3A_307 : i32 to vector<16x1xi32>
      %gather3A_309 = vector.shape_cast %broadcast_in_dim3A_308 : vector<16x1xi32> to vector<16xi32>
      %gather3A_310 = tpu.dynamic_gather %add3A_53[%gather3A_309] in [0] : vector<16xi32>, vector<16xi32> -> vector<16xi32>
      %add3A_311 = arith.addi %gather3A_310, %mul3A_5 : vector<16xi32>
      %add3A_312 = arith.constant 0 : i32
      %add3A_313 = vector.broadcast %add3A_312 : i32 to vector<16xi32>
      %add3A_314 = arith.addi %add3A_311, %add3A_313 : vector<16xi32>
      %mul3A_315 = arith.constant 512 : i32
      %mul3A_316 = arith.muli %rem3A_23, %mul3A_315 : i32
      %add3A_317 = arith.constant 256 : i32
      %add3A_318 = arith.addi %mul3A_316, %add3A_317 : i32
      %add3A_319 = arith.constant 0 : i32
      %add3A_320 = arith.addi %add3A_318, %add3A_319 : i32
      %swap3A_321 = arith.index_cast %add3A_320 : i32 to index
      %swap3A_322 = tpu.vector_load %arg6[%swap3A_321] {strides = array<i32>} : memref<16384xi32, #tpu.memory_space<vmem>>, vector<16xi32>,
      %swap3A_323 = vector.shape_cast %swap3A_322 : vector<16xi32> to vector<16xi32>
      %swap3A_324 = vector.shape_cast %add3A_314 : vector<16xi32> to vector<16xi32>
      tpu.vector_store %arg6[%swap3A_321], %swap3A_324 {strides = array<i32>} : memref<16384xi32, #tpu.memory_space<vmem>>, vector<16xi32>,
      %add3A_325 = arith.addi %gather3A_310, %mul3A_5 : vector<16xi32>
      %add3A_326 = arith.constant 1600000 : i32
      %add3A_327 = vector.broadcast %add3A_326 : i32 to vector<16xi32>
      %add3A_328 = arith.addi %add3A_325, %add3A_327 : vector<16xi32>
      %mul3A_329 = arith.constant 512 : i32
      %mul3A_330 = arith.muli %rem3A_23, %mul3A_329 : i32
      %add3A_331 = arith.constant 256 : i32
      %add3A_332 = arith.addi %mul3A_330, %add3A_331 : i32
      %add3A_333 = arith.constant 16 : i32
      %add3A_334 = arith.addi %add3A_332, %add3A_333 : i32
      %swap3A_335 = arith.index_cast %add3A_334 : i32 to index
      %swap3A_336 = tpu.vector_load %arg6[%swap3A_335] {strides = array<i32>} : memref<16384xi32, #tpu.memory_space<vmem>>, vector<16xi32>,
      %swap3A_337 = vector.shape_cast %swap3A_336 : vector<16xi32> to vector<16xi32>
      %swap3A_338 = vector.shape_cast %add3A_328 : vector<16xi32> to vector<16xi32>
      tpu.vector_store %arg6[%swap3A_335], %swap3A_338 {strides = array<i32>} : memref<16384xi32, #tpu.memory_space<vmem>>, vector<16xi32>,
      %broadcast_in_dim3A_339 = arith.constant 9 : i32
      %broadcast_in_dim3A_340 = vector.broadcast %broadcast_in_dim3A_339 : i32 to vector<16x1xi32>
      %gather3A_341 = vector.shape_cast %broadcast_in_dim3A_340 : vector<16x1xi32> to vector<16xi32>
      %gather3A_342 = tpu.dynamic_gather %add3A_53[%gather3A_341] in [0] : vector<16xi32>, vector<16xi32> -> vector<16xi32>
      %add3A_343 = arith.addi %gather3A_342, %mul3A_5 : vector<16xi32>
      %add3A_344 = arith.constant 0 : i32
      %add3A_345 = vector.broadcast %add3A_344 : i32 to vector<16xi32>
      %add3A_346 = arith.addi %add3A_343, %add3A_345 : vector<16xi32>
      %mul3A_347 = arith.constant 512 : i32
      %mul3A_348 = arith.muli %rem3A_23, %mul3A_347 : i32
      %add3A_349 = arith.constant 288 : i32
      %add3A_350 = arith.addi %mul3A_348, %add3A_349 : i32
      %add3A_351 = arith.constant 0 : i32
      %add3A_352 = arith.addi %add3A_350, %add3A_351 : i32
      %swap3A_353 = arith.index_cast %add3A_352 : i32 to index
      %swap3A_354 = tpu.vector_load %arg6[%swap3A_353] {strides = array<i32>} : memref<16384xi32, #tpu.memory_space<vmem>>, vector<16xi32>,
      %swap3A_355 = vector.shape_cast %swap3A_354 : vector<16xi32> to vector<16xi32>
      %swap3A_356 = vector.shape_cast %add3A_346 : vector<16xi32> to vector<16xi32>
      tpu.vector_store %arg6[%swap3A_353], %swap3A_356 {strides = array<i32>} : memref<16384xi32, #tpu.memory_space<vmem>>, vector<16xi32>,
      %add3A_357 = arith.addi %gather3A_342, %mul3A_5 : vector<16xi32>
      %add3A_358 = arith.constant 1600000 : i32
      %add3A_359 = vector.broadcast %add3A_358 : i32 to vector<16xi32>
      %add3A_360 = arith.addi %add3A_357, %add3A_359 : vector<16xi32>
      %mul3A_361 = arith.constant 512 : i32
      %mul3A_362 = arith.muli %rem3A_23, %mul3A_361 : i32
      %add3A_363 = arith.constant 288 : i32
      %add3A_364 = arith.addi %mul3A_362, %add3A_363 : i32
      %add3A_365 = arith.constant 16 : i32
      %add3A_366 = arith.addi %add3A_364, %add3A_365 : i32
      %swap3A_367 = arith.index_cast %add3A_366 : i32 to index
      %swap3A_368 = tpu.vector_load %arg6[%swap3A_367] {strides = array<i32>} : memref<16384xi32, #tpu.memory_space<vmem>>, vector<16xi32>,
      %swap3A_369 = vector.shape_cast %swap3A_368 : vector<16xi32> to vector<16xi32>
      %swap3A_370 = vector.shape_cast %add3A_360 : vector<16xi32> to vector<16xi32>
      tpu.vector_store %arg6[%swap3A_367], %swap3A_370 {strides = array<i32>} : memref<16384xi32, #tpu.memory_space<vmem>>, vector<16xi32>,
      %broadcast_in_dim3A_371 = arith.constant 10 : i32
      %broadcast_in_dim3A_372 = vector.broadcast %broadcast_in_dim3A_371 : i32 to vector<16x1xi32>
      %gather3A_373 = vector.shape_cast %broadcast_in_dim3A_372 : vector<16x1xi32> to vector<16xi32>
      %gather3A_374 = tpu.dynamic_gather %add3A_53[%gather3A_373] in [0] : vector<16xi32>, vector<16xi32> -> vector<16xi32>
      %add3A_375 = arith.addi %gather3A_374, %mul3A_5 : vector<16xi32>
      %add3A_376 = arith.constant 0 : i32
      %add3A_377 = vector.broadcast %add3A_376 : i32 to vector<16xi32>
      %add3A_378 = arith.addi %add3A_375, %add3A_377 : vector<16xi32>
      %mul3A_379 = arith.constant 512 : i32
      %mul3A_380 = arith.muli %rem3A_23, %mul3A_379 : i32
      %add3A_381 = arith.constant 320 : i32
      %add3A_382 = arith.addi %mul3A_380, %add3A_381 : i32
      %add3A_383 = arith.constant 0 : i32
      %add3A_384 = arith.addi %add3A_382, %add3A_383 : i32
      %swap3A_385 = arith.index_cast %add3A_384 : i32 to index
      %swap3A_386 = tpu.vector_load %arg6[%swap3A_385] {strides = array<i32>} : memref<16384xi32, #tpu.memory_space<vmem>>, vector<16xi32>,
      %swap3A_387 = vector.shape_cast %swap3A_386 : vector<16xi32> to vector<16xi32>
      %swap3A_388 = vector.shape_cast %add3A_378 : vector<16xi32> to vector<16xi32>
      tpu.vector_store %arg6[%swap3A_385], %swap3A_388 {strides = array<i32>} : memref<16384xi32, #tpu.memory_space<vmem>>, vector<16xi32>,
      %add3A_389 = arith.addi %gather3A_374, %mul3A_5 : vector<16xi32>
      %add3A_390 = arith.constant 1600000 : i32
      %add3A_391 = vector.broadcast %add3A_390 : i32 to vector<16xi32>
      %add3A_392 = arith.addi %add3A_389, %add3A_391 : vector<16xi32>
      %mul3A_393 = arith.constant 512 : i32
      %mul3A_394 = arith.muli %rem3A_23, %mul3A_393 : i32
      %add3A_395 = arith.constant 320 : i32
      %add3A_396 = arith.addi %mul3A_394, %add3A_395 : i32
      %add3A_397 = arith.constant 16 : i32
      %add3A_398 = arith.addi %add3A_396, %add3A_397 : i32
      %swap3A_399 = arith.index_cast %add3A_398 : i32 to index
      %swap3A_400 = tpu.vector_load %arg6[%swap3A_399] {strides = array<i32>} : memref<16384xi32, #tpu.memory_space<vmem>>, vector<16xi32>,
      %swap3A_401 = vector.shape_cast %swap3A_400 : vector<16xi32> to vector<16xi32>
      %swap3A_402 = vector.shape_cast %add3A_392 : vector<16xi32> to vector<16xi32>
      tpu.vector_store %arg6[%swap3A_399], %swap3A_402 {strides = array<i32>} : memref<16384xi32, #tpu.memory_space<vmem>>, vector<16xi32>,
      %broadcast_in_dim3A_403 = arith.constant 11 : i32
      %broadcast_in_dim3A_404 = vector.broadcast %broadcast_in_dim3A_403 : i32 to vector<16x1xi32>
      %gather3A_405 = vector.shape_cast %broadcast_in_dim3A_404 : vector<16x1xi32> to vector<16xi32>
      %gather3A_406 = tpu.dynamic_gather %add3A_53[%gather3A_405] in [0] : vector<16xi32>, vector<16xi32> -> vector<16xi32>
      %add3A_407 = arith.addi %gather3A_406, %mul3A_5 : vector<16xi32>
      %add3A_408 = arith.constant 0 : i32
      %add3A_409 = vector.broadcast %add3A_408 : i32 to vector<16xi32>
      %add3A_410 = arith.addi %add3A_407, %add3A_409 : vector<16xi32>
      %mul3A_411 = arith.constant 512 : i32
      %mul3A_412 = arith.muli %rem3A_23, %mul3A_411 : i32
      %add3A_413 = arith.constant 352 : i32
      %add3A_414 = arith.addi %mul3A_412, %add3A_413 : i32
      %add3A_415 = arith.constant 0 : i32
      %add3A_416 = arith.addi %add3A_414, %add3A_415 : i32
      %swap3A_417 = arith.index_cast %add3A_416 : i32 to index
      %swap3A_418 = tpu.vector_load %arg6[%swap3A_417] {strides = array<i32>} : memref<16384xi32, #tpu.memory_space<vmem>>, vector<16xi32>,
      %swap3A_419 = vector.shape_cast %swap3A_418 : vector<16xi32> to vector<16xi32>
      %swap3A_420 = vector.shape_cast %add3A_410 : vector<16xi32> to vector<16xi32>
      tpu.vector_store %arg6[%swap3A_417], %swap3A_420 {strides = array<i32>} : memref<16384xi32, #tpu.memory_space<vmem>>, vector<16xi32>,
      %add3A_421 = arith.addi %gather3A_406, %mul3A_5 : vector<16xi32>
      %add3A_422 = arith.constant 1600000 : i32
      %add3A_423 = vector.broadcast %add3A_422 : i32 to vector<16xi32>
      %add3A_424 = arith.addi %add3A_421, %add3A_423 : vector<16xi32>
      %mul3A_425 = arith.constant 512 : i32
      %mul3A_426 = arith.muli %rem3A_23, %mul3A_425 : i32
      %add3A_427 = arith.constant 352 : i32
      %add3A_428 = arith.addi %mul3A_426, %add3A_427 : i32
      %add3A_429 = arith.constant 16 : i32
      %add3A_430 = arith.addi %add3A_428, %add3A_429 : i32
      %swap3A_431 = arith.index_cast %add3A_430 : i32 to index
      %swap3A_432 = tpu.vector_load %arg6[%swap3A_431] {strides = array<i32>} : memref<16384xi32, #tpu.memory_space<vmem>>, vector<16xi32>,
      %swap3A_433 = vector.shape_cast %swap3A_432 : vector<16xi32> to vector<16xi32>
      %swap3A_434 = vector.shape_cast %add3A_424 : vector<16xi32> to vector<16xi32>
      tpu.vector_store %arg6[%swap3A_431], %swap3A_434 {strides = array<i32>} : memref<16384xi32, #tpu.memory_space<vmem>>, vector<16xi32>,
      %broadcast_in_dim3A_435 = arith.constant 12 : i32
      %broadcast_in_dim3A_436 = vector.broadcast %broadcast_in_dim3A_435 : i32 to vector<16x1xi32>
      %gather3A_437 = vector.shape_cast %broadcast_in_dim3A_436 : vector<16x1xi32> to vector<16xi32>
      %gather3A_438 = tpu.dynamic_gather %add3A_53[%gather3A_437] in [0] : vector<16xi32>, vector<16xi32> -> vector<16xi32>
      %add3A_439 = arith.addi %gather3A_438, %mul3A_5 : vector<16xi32>
      %add3A_440 = arith.constant 0 : i32
      %add3A_441 = vector.broadcast %add3A_440 : i32 to vector<16xi32>
      %add3A_442 = arith.addi %add3A_439, %add3A_441 : vector<16xi32>
      %mul3A_443 = arith.constant 512 : i32
      %mul3A_444 = arith.muli %rem3A_23, %mul3A_443 : i32
      %add3A_445 = arith.constant 384 : i32
      %add3A_446 = arith.addi %mul3A_444, %add3A_445 : i32
      %add3A_447 = arith.constant 0 : i32
      %add3A_448 = arith.addi %add3A_446, %add3A_447 : i32
      %swap3A_449 = arith.index_cast %add3A_448 : i32 to index
      %swap3A_450 = tpu.vector_load %arg6[%swap3A_449] {strides = array<i32>} : memref<16384xi32, #tpu.memory_space<vmem>>, vector<16xi32>,
      %swap3A_451 = vector.shape_cast %swap3A_450 : vector<16xi32> to vector<16xi32>
      %swap3A_452 = vector.shape_cast %add3A_442 : vector<16xi32> to vector<16xi32>
      tpu.vector_store %arg6[%swap3A_449], %swap3A_452 {strides = array<i32>} : memref<16384xi32, #tpu.memory_space<vmem>>, vector<16xi32>,
      %add3A_453 = arith.addi %gather3A_438, %mul3A_5 : vector<16xi32>
      %add3A_454 = arith.constant 1600000 : i32
      %add3A_455 = vector.broadcast %add3A_454 : i32 to vector<16xi32>
      %add3A_456 = arith.addi %add3A_453, %add3A_455 : vector<16xi32>
      %mul3A_457 = arith.constant 512 : i32
      %mul3A_458 = arith.muli %rem3A_23, %mul3A_457 : i32
      %add3A_459 = arith.constant 384 : i32
      %add3A_460 = arith.addi %mul3A_458, %add3A_459 : i32
      %add3A_461 = arith.constant 16 : i32
      %add3A_462 = arith.addi %add3A_460, %add3A_461 : i32
      %swap3A_463 = arith.index_cast %add3A_462 : i32 to index
      %swap3A_464 = tpu.vector_load %arg6[%swap3A_463] {strides = array<i32>} : memref<16384xi32, #tpu.memory_space<vmem>>, vector<16xi32>,
      %swap3A_465 = vector.shape_cast %swap3A_464 : vector<16xi32> to vector<16xi32>
      %swap3A_466 = vector.shape_cast %add3A_456 : vector<16xi32> to vector<16xi32>
      tpu.vector_store %arg6[%swap3A_463], %swap3A_466 {strides = array<i32>} : memref<16384xi32, #tpu.memory_space<vmem>>, vector<16xi32>,
      %broadcast_in_dim3A_467 = arith.constant 13 : i32
      %broadcast_in_dim3A_468 = vector.broadcast %broadcast_in_dim3A_467 : i32 to vector<16x1xi32>
      %gather3A_469 = vector.shape_cast %broadcast_in_dim3A_468 : vector<16x1xi32> to vector<16xi32>
      %gather3A_470 = tpu.dynamic_gather %add3A_53[%gather3A_469] in [0] : vector<16xi32>, vector<16xi32> -> vector<16xi32>
      %add3A_471 = arith.addi %gather3A_470, %mul3A_5 : vector<16xi32>
      %add3A_472 = arith.constant 0 : i32
      %add3A_473 = vector.broadcast %add3A_472 : i32 to vector<16xi32>
      %add3A_474 = arith.addi %add3A_471, %add3A_473 : vector<16xi32>
      %mul3A_475 = arith.constant 512 : i32
      %mul3A_476 = arith.muli %rem3A_23, %mul3A_475 : i32
      %add3A_477 = arith.constant 416 : i32
      %add3A_478 = arith.addi %mul3A_476, %add3A_477 : i32
      %add3A_479 = arith.constant 0 : i32
      %add3A_480 = arith.addi %add3A_478, %add3A_479 : i32
      %swap3A_481 = arith.index_cast %add3A_480 : i32 to index
      %swap3A_482 = tpu.vector_load %arg6[%swap3A_481] {strides = array<i32>} : memref<16384xi32, #tpu.memory_space<vmem>>, vector<16xi32>,
      %swap3A_483 = vector.shape_cast %swap3A_482 : vector<16xi32> to vector<16xi32>
      %swap3A_484 = vector.shape_cast %add3A_474 : vector<16xi32> to vector<16xi32>
      tpu.vector_store %arg6[%swap3A_481], %swap3A_484 {strides = array<i32>} : memref<16384xi32, #tpu.memory_space<vmem>>, vector<16xi32>,
      %add3A_485 = arith.addi %gather3A_470, %mul3A_5 : vector<16xi32>
      %add3A_486 = arith.constant 1600000 : i32
      %add3A_487 = vector.broadcast %add3A_486 : i32 to vector<16xi32>
      %add3A_488 = arith.addi %add3A_485, %add3A_487 : vector<16xi32>
      %mul3A_489 = arith.constant 512 : i32
      %mul3A_490 = arith.muli %rem3A_23, %mul3A_489 : i32
      %add3A_491 = arith.constant 416 : i32
      %add3A_492 = arith.addi %mul3A_490, %add3A_491 : i32
      %add3A_493 = arith.constant 16 : i32
      %add3A_494 = arith.addi %add3A_492, %add3A_493 : i32
      %swap3A_495 = arith.index_cast %add3A_494 : i32 to index
      %swap3A_496 = tpu.vector_load %arg6[%swap3A_495] {strides = array<i32>} : memref<16384xi32, #tpu.memory_space<vmem>>, vector<16xi32>,
      %swap3A_497 = vector.shape_cast %swap3A_496 : vector<16xi32> to vector<16xi32>
      %swap3A_498 = vector.shape_cast %add3A_488 : vector<16xi32> to vector<16xi32>
      tpu.vector_store %arg6[%swap3A_495], %swap3A_498 {strides = array<i32>} : memref<16384xi32, #tpu.memory_space<vmem>>, vector<16xi32>,
      %broadcast_in_dim3A_499 = arith.constant 14 : i32
      %broadcast_in_dim3A_500 = vector.broadcast %broadcast_in_dim3A_499 : i32 to vector<16x1xi32>
      %gather3A_501 = vector.shape_cast %broadcast_in_dim3A_500 : vector<16x1xi32> to vector<16xi32>
      %gather3A_502 = tpu.dynamic_gather %add3A_53[%gather3A_501] in [0] : vector<16xi32>, vector<16xi32> -> vector<16xi32>
      %add3A_503 = arith.addi %gather3A_502, %mul3A_5 : vector<16xi32>
      %add3A_504 = arith.constant 0 : i32
      %add3A_505 = vector.broadcast %add3A_504 : i32 to vector<16xi32>
      %add3A_506 = arith.addi %add3A_503, %add3A_505 : vector<16xi32>
      %mul3A_507 = arith.constant 512 : i32
      %mul3A_508 = arith.muli %rem3A_23, %mul3A_507 : i32
      %add3A_509 = arith.constant 448 : i32
      %add3A_510 = arith.addi %mul3A_508, %add3A_509 : i32
      %add3A_511 = arith.constant 0 : i32
      %add3A_512 = arith.addi %add3A_510, %add3A_511 : i32
      %swap3A_513 = arith.index_cast %add3A_512 : i32 to index
      %swap3A_514 = tpu.vector_load %arg6[%swap3A_513] {strides = array<i32>} : memref<16384xi32, #tpu.memory_space<vmem>>, vector<16xi32>,
      %swap3A_515 = vector.shape_cast %swap3A_514 : vector<16xi32> to vector<16xi32>
      %swap3A_516 = vector.shape_cast %add3A_506 : vector<16xi32> to vector<16xi32>
      tpu.vector_store %arg6[%swap3A_513], %swap3A_516 {strides = array<i32>} : memref<16384xi32, #tpu.memory_space<vmem>>, vector<16xi32>,
      %add3A_517 = arith.addi %gather3A_502, %mul3A_5 : vector<16xi32>
      %add3A_518 = arith.constant 1600000 : i32
      %add3A_519 = vector.broadcast %add3A_518 : i32 to vector<16xi32>
      %add3A_520 = arith.addi %add3A_517, %add3A_519 : vector<16xi32>
      %mul3A_521 = arith.constant 512 : i32
      %mul3A_522 = arith.muli %rem3A_23, %mul3A_521 : i32
      %add3A_523 = arith.constant 448 : i32
      %add3A_524 = arith.addi %mul3A_522, %add3A_523 : i32
      %add3A_525 = arith.constant 16 : i32
      %add3A_526 = arith.addi %add3A_524, %add3A_525 : i32
      %swap3A_527 = arith.index_cast %add3A_526 : i32 to index
      %swap3A_528 = tpu.vector_load %arg6[%swap3A_527] {strides = array<i32>} : memref<16384xi32, #tpu.memory_space<vmem>>, vector<16xi32>,
      %swap3A_529 = vector.shape_cast %swap3A_528 : vector<16xi32> to vector<16xi32>
      %swap3A_530 = vector.shape_cast %add3A_520 : vector<16xi32> to vector<16xi32>
      tpu.vector_store %arg6[%swap3A_527], %swap3A_530 {strides = array<i32>} : memref<16384xi32, #tpu.memory_space<vmem>>, vector<16xi32>,
      %broadcast_in_dim3A_531 = arith.constant 15 : i32
      %broadcast_in_dim3A_532 = vector.broadcast %broadcast_in_dim3A_531 : i32 to vector<16x1xi32>
      %gather3A_533 = vector.shape_cast %broadcast_in_dim3A_532 : vector<16x1xi32> to vector<16xi32>
      %gather3A_534 = tpu.dynamic_gather %add3A_53[%gather3A_533] in [0] : vector<16xi32>, vector<16xi32> -> vector<16xi32>
      %add3A_535 = arith.addi %gather3A_534, %mul3A_5 : vector<16xi32>
      %add3A_536 = arith.constant 0 : i32
      %add3A_537 = vector.broadcast %add3A_536 : i32 to vector<16xi32>
      %add3A_538 = arith.addi %add3A_535, %add3A_537 : vector<16xi32>
      %mul3A_539 = arith.constant 512 : i32
      %mul3A_540 = arith.muli %rem3A_23, %mul3A_539 : i32
      %add3A_541 = arith.constant 480 : i32
      %add3A_542 = arith.addi %mul3A_540, %add3A_541 : i32
      %add3A_543 = arith.constant 0 : i32
      %add3A_544 = arith.addi %add3A_542, %add3A_543 : i32
      %swap3A_545 = arith.index_cast %add3A_544 : i32 to index
      %swap3A_546 = tpu.vector_load %arg6[%swap3A_545] {strides = array<i32>} : memref<16384xi32, #tpu.memory_space<vmem>>, vector<16xi32>,
      %swap3A_547 = vector.shape_cast %swap3A_546 : vector<16xi32> to vector<16xi32>
      %swap3A_548 = vector.shape_cast %add3A_538 : vector<16xi32> to vector<16xi32>
      tpu.vector_store %arg6[%swap3A_545], %swap3A_548 {strides = array<i32>} : memref<16384xi32, #tpu.memory_space<vmem>>, vector<16xi32>,
      %add3A_549 = arith.addi %gather3A_534, %mul3A_5 : vector<16xi32>
      %add3A_550 = arith.constant 1600000 : i32
      %add3A_551 = vector.broadcast %add3A_550 : i32 to vector<16xi32>
      %add3A_552 = arith.addi %add3A_549, %add3A_551 : vector<16xi32>
      %mul3A_553 = arith.constant 512 : i32
      %mul3A_554 = arith.muli %rem3A_23, %mul3A_553 : i32
      %add3A_555 = arith.constant 480 : i32
      %add3A_556 = arith.addi %mul3A_554, %add3A_555 : i32
      %add3A_557 = arith.constant 16 : i32
      %add3A_558 = arith.addi %add3A_556, %add3A_557 : i32
      %swap3A_559 = arith.index_cast %add3A_558 : i32 to index
      %swap3A_560 = tpu.vector_load %arg6[%swap3A_559] {strides = array<i32>} : memref<16384xi32, #tpu.memory_space<vmem>>, vector<16xi32>,
      %swap3A_561 = vector.shape_cast %swap3A_560 : vector<16xi32> to vector<16xi32>
      %swap3A_562 = vector.shape_cast %add3A_552 : vector<16xi32> to vector<16xi32>
      tpu.vector_store %arg6[%swap3A_559], %swap3A_562 {strides = array<i32>} : memref<16384xi32, #tpu.memory_space<vmem>>, vector<16xi32>,
      %mul3A_563 = arith.constant 512 : i32
      %mul3A_564 = arith.muli %rem3A_23, %mul3A_563 : i32
      %add3A_565 = arith.constant 0 : i32
      %add3A_566 = arith.addi %mul3A_564, %add3A_565 : i32
      %mul3A_567 = arith.constant 4 : i32
      %mul3A_568 = arith.muli %scan3A_21, %mul3A_567 : i32
      %add3A_569 = arith.constant 0 : i32
      %add3A_570 = arith.addi %mul3A_568, %add3A_569 : i32
      %mul3A_571 = arith.constant 128 : i32
      %mul3A_572 = arith.muli %add3A_570, %mul3A_571 : i32
      %dma_start3A = tpu.memref_slice %arg7[%mul3A_572] : memref<106496xf32, #tpu.memory_space<vmem>> -> memref<128xf32, #tpu.memory_space<vmem>>
      %dma_start3A_573 = tpu.memref_slice %arg6[%add3A_566] : memref<16384xi32, #tpu.memory_space<vmem>> -> memref<128xi32, #tpu.memory_space<vmem>>
      %dma_start3A_574 = arith.constant 0 : i32
      %dma_start3A_575 = tpu.memref_slice %arg2[%dma_start3A_574] : memref<83200000xf32, #tpu.memory_space<hbm>> -> memref<83200000xf32, #tpu.memory_space<hbm>>
      tpu.enqueue_indirect_dma source(%dma_start3A_575 : memref<83200000xf32, #tpu.memory_space<hbm>>) target(%dma_start3A : memref<128xf32, #tpu.memory_space<vmem>>) offsets(%dma_start3A_573 : memref<128xi32, #tpu.memory_space<vmem>>) semaphore(%arg8 : memref<!tpu.dma_semaphore, #tpu.memory_space<semaphore_mem>>)
      %mul3A_576 = arith.constant 512 : i32
      %mul3A_577 = arith.muli %rem3A_23, %mul3A_576 : i32
      %add3A_578 = arith.constant 128 : i32
      %add3A_579 = arith.addi %mul3A_577, %add3A_578 : i32
      %mul3A_580 = arith.constant 4 : i32
      %mul3A_581 = arith.muli %scan3A_21, %mul3A_580 : i32
      %add3A_582 = arith.constant 1 : i32
      %add3A_583 = arith.addi %mul3A_581, %add3A_582 : i32
      %mul3A_584 = arith.constant 128 : i32
      %mul3A_585 = arith.muli %add3A_583, %mul3A_584 : i32
      %dma_start3A_586 = tpu.memref_slice %arg7[%mul3A_585] : memref<106496xf32, #tpu.memory_space<vmem>> -> memref<128xf32, #tpu.memory_space<vmem>>
      %dma_start3A_587 = tpu.memref_slice %arg6[%add3A_579] : memref<16384xi32, #tpu.memory_space<vmem>> -> memref<128xi32, #tpu.memory_space<vmem>>
      %dma_start3A_588 = arith.constant 0 : i32
      %dma_start3A_589 = tpu.memref_slice %arg2[%dma_start3A_588] : memref<83200000xf32, #tpu.memory_space<hbm>> -> memref<83200000xf32, #tpu.memory_space<hbm>>
      tpu.enqueue_indirect_dma source(%dma_start3A_589 : memref<83200000xf32, #tpu.memory_space<hbm>>) target(%dma_start3A_586 : memref<128xf32, #tpu.memory_space<vmem>>) offsets(%dma_start3A_587 : memref<128xi32, #tpu.memory_space<vmem>>) semaphore(%arg8 : memref<!tpu.dma_semaphore, #tpu.memory_space<semaphore_mem>>)
      %mul3A_590 = arith.constant 512 : i32
      %mul3A_591 = arith.muli %rem3A_23, %mul3A_590 : i32
      %add3A_592 = arith.constant 256 : i32
      %add3A_593 = arith.addi %mul3A_591, %add3A_592 : i32
      %mul3A_594 = arith.constant 4 : i32
      %mul3A_595 = arith.muli %scan3A_21, %mul3A_594 : i32
      %add3A_596 = arith.constant 2 : i32
      %add3A_597 = arith.addi %mul3A_595, %add3A_596 : i32
      %mul3A_598 = arith.constant 128 : i32
      %mul3A_599 = arith.muli %add3A_597, %mul3A_598 : i32
      %dma_start3A_600 = tpu.memref_slice %arg7[%mul3A_599] : memref<106496xf32, #tpu.memory_space<vmem>> -> memref<128xf32, #tpu.memory_space<vmem>>
      %dma_start3A_601 = tpu.memref_slice %arg6[%add3A_593] : memref<16384xi32, #tpu.memory_space<vmem>> -> memref<128xi32, #tpu.memory_space<vmem>>
      %dma_start3A_602 = arith.constant 0 : i32
      %dma_start3A_603 = tpu.memref_slice %arg2[%dma_start3A_602] : memref<83200000xf32, #tpu.memory_space<hbm>> -> memref<83200000xf32, #tpu.memory_space<hbm>>
      tpu.enqueue_indirect_dma source(%dma_start3A_603 : memref<83200000xf32, #tpu.memory_space<hbm>>) target(%dma_start3A_600 : memref<128xf32, #tpu.memory_space<vmem>>) offsets(%dma_start3A_601 : memref<128xi32, #tpu.memory_space<vmem>>) semaphore(%arg8 : memref<!tpu.dma_semaphore, #tpu.memory_space<semaphore_mem>>)
      %mul3A_604 = arith.constant 512 : i32
      %mul3A_605 = arith.muli %rem3A_23, %mul3A_604 : i32
      %add3A_606 = arith.constant 384 : i32
      %add3A_607 = arith.addi %mul3A_605, %add3A_606 : i32
      %mul3A_608 = arith.constant 4 : i32
      %mul3A_609 = arith.muli %scan3A_21, %mul3A_608 : i32
      %add3A_610 = arith.constant 3 : i32
      %add3A_611 = arith.addi %mul3A_609, %add3A_610 : i32
      %mul3A_612 = arith.constant 128 : i32
      %mul3A_613 = arith.muli %add3A_611, %mul3A_612 : i32
      %dma_start3A_614 = tpu.memref_slice %arg7[%mul3A_613] : memref<106496xf32, #tpu.memory_space<vmem>> -> memref<128xf32, #tpu.memory_space<vmem>>
      %dma_start3A_615 = tpu.memref_slice %arg6[%add3A_607] : memref<16384xi32, #tpu.memory_space<vmem>> -> memref<128xi32, #tpu.memory_space<vmem>>
      %dma_start3A_616 = arith.constant 0 : i32
      %dma_start3A_617 = tpu.memref_slice %arg2[%dma_start3A_616] : memref<83200000xf32, #tpu.memory_space<hbm>> -> memref<83200000xf32, #tpu.memory_space<hbm>>
      tpu.enqueue_indirect_dma source(%dma_start3A_617 : memref<83200000xf32, #tpu.memory_space<hbm>>) target(%dma_start3A_614 : memref<128xf32, #tpu.memory_space<vmem>>) offsets(%dma_start3A_615 : memref<128xi32, #tpu.memory_space<vmem>>) semaphore(%arg8 : memref<!tpu.dma_semaphore, #tpu.memory_space<semaphore_mem>>)
      %scan3A_618 = arith.constant 0 : i32
      scf.yield %scan3A_618 : i32
    }
    %scan3A_11 = arith.constant 208 : i32
    %scan3A_12 = arith.constant 0 : i32
    %scan3A_13 = arith.constant 0 : i32
    %scan3A_14 = arith.constant 128 : i32
    %scan3A_15 = arith.addi %scan3A_13, %scan3A_14 : i32
    %scan3A_16 = arith.constant 1 : i32
    %scan3A_17 = scf.for %scan3A_21 = %scan3A_13 to %scan3A_15 step %scan3A_16 iter_args(%scan3A_22 = %scan3A_12) -> (i32)  : i32 {
      %add3A_23 = arith.constant 704 : i32
      %add3A_24 = arith.addi %add3A_23, %scan3A_21 : i32
      %rem3A = arith.constant 128 : i32
      %rem3A_25 = arith.remsi %add3A_24, %rem3A : i32
      %mul3A_26 = arith.constant 128 : i32
      %mul3A_27 = arith.muli %rem3A_25, %mul3A_26 : i32
      %mul3A_28 = arith.constant 128 : i32
      %mul3A_29 = arith.muli %add3A_24, %mul3A_28 : i32
      %dma_wait3A = tpu.memref_slice %arg7[%mul3A_29] : memref<106496xf32, #tpu.memory_space<vmem>> -> memref<128xf32, #tpu.memory_space<vmem>>
      %dma_wait3A_30 = tpu.memref_slice %arg6[%mul3A_27] : memref<16384xi32, #tpu.memory_space<vmem>> -> memref<128xi32, #tpu.memory_space<vmem>>
      %dma_wait3A_31 = arith.constant 0 : i32
      %dma_wait3A_32 = tpu.memref_slice %arg2[%dma_wait3A_31] : memref<83200000xf32, #tpu.memory_space<hbm>> -> memref<83200000xf32, #tpu.memory_space<hbm>>
      tpu.wait_indirect_dma semaphore(%arg8 : memref<!tpu.dma_semaphore, #tpu.memory_space<semaphore_mem>>) src(%dma_wait3A_32 : memref<83200000xf32, #tpu.memory_space<hbm>>) dst(%dma_wait3A : memref<128xf32, #tpu.memory_space<vmem>>)
      %scan3A_33 = arith.constant 0 : i32
      scf.yield %scan3A_33 : i32
    }
    %scan3A_18 = arith.constant 128 : i32
    %mul3A_19 = arith.constant 106496 : i32
    %mul3A_20 = arith.muli %add3A, %mul3A_19 : i32
    "tpu.region"() ({
      %run_scoped3A = tpu.sem_alloc : memref<!tpu.dma_semaphore, #tpu.memory_space<semaphore_mem>>
      %dma_start3A = tpu.memref_slice %arg4[%mul3A_20] : memref<3407872xf32, #tpu.memory_space<hbm>> -> memref<106496xf32, #tpu.memory_space<hbm>>
      %dma_start3A_21 = tpu.memref_slice %arg4[%mul3A_20] : memref<3407872xf32, #tpu.memory_space<hbm>> -> memref<106496xf32, #tpu.memory_space<hbm>>
      tpu.enqueue_dma source(%arg7 : memref<106496xf32, #tpu.memory_space<vmem>>) target(%dma_start3A_21 : memref<106496xf32, #tpu.memory_space<hbm>>) target_semaphore(%run_scoped3A : memref<!tpu.dma_semaphore, #tpu.memory_space<semaphore_mem>>)
      %dma_wait3A = tpu.memref_slice %arg4[%mul3A_20] : memref<3407872xf32, #tpu.memory_space<hbm>> -> memref<106496xf32, #tpu.memory_space<hbm>>
      %dma_wait3A_22 = tpu.memref_slice %arg4[%mul3A_20] : memref<3407872xf32, #tpu.memory_space<hbm>> -> memref<106496xf32, #tpu.memory_space<hbm>>
      tpu.wait_dma2 semaphore(%run_scoped3A : memref<!tpu.dma_semaphore, #tpu.memory_space<semaphore_mem>>) src(%arg7 : memref<106496xf32, #tpu.memory_space<vmem>>) dst(%dma_wait3A_22 : memref<106496xf32, #tpu.memory_space<hbm>>)
      tpu.yield
    }) : () -> ()
    return
  }
}

module attributes {stable_mosaic.version = 14 : i64} {
  func.func @_mlp_body(%arg0: i32, %arg1: memref<1024x832xf32, #tpu.memory_space<vmem>>, %arg2: memref<1024x13xf32, #tpu.memory_space<vmem>>, %arg3: memref<1024x832xf32, #tpu.memory_space<vmem>>, %arg4: memref<1024x13xf32, #tpu.memory_space<vmem>>, %arg5: memref<1x1024xf32, #tpu.memory_space<vmem>>, %arg6: memref<512x1024xf32, #tpu.memory_space<vmem>>, %arg7: memref<1x512xf32, #tpu.memory_space<vmem>>, %arg8: memref<256x512xf32, #tpu.memory_space<vmem>>, %arg9: memref<1x256xf32, #tpu.memory_space<vmem>>, %arg10: memref<128x256xf32, #tpu.memory_space<vmem>>, %arg11: memref<1x1xf32, #tpu.memory_space<vmem>>, %arg12: memref<1024x1xf32, #tpu.memory_space<vmem>>) attributes {dimension_semantics = [#tpu.dimension_semantics<arbitrary>], iteration_bounds = array<i64: 4>, scalar_prefetch = 0 : i64, scratch_operands = 0 : i64, tpu.core_type = #tpu.core_type<tc>, window_params = [{transform_indices = @transform_0, window_bounds = array<i64: 1024, 832>}, {transform_indices = @transform_1, window_bounds = array<i64: 1024, 13>}, {pipeline_mode = #tpu.pipeline_mode<synchronous>, transform_indices = @transform_2, window_bounds = array<i64: 1024, 832>}, {pipeline_mode = #tpu.pipeline_mode<synchronous>, transform_indices = @transform_3, window_bounds = array<i64: 1024, 13>}, {pipeline_mode = #tpu.pipeline_mode<synchronous>, transform_indices = @transform_4, window_bounds = array<i64: 1, 1024>}, {pipeline_mode = #tpu.pipeline_mode<synchronous>, transform_indices = @transform_5, window_bounds = array<i64: 512, 1024>}, {pipeline_mode = #tpu.pipeline_mode<synchronous>, transform_indices = @transform_6, window_bounds = array<i64: 1, 512>}, {pipeline_mode = #tpu.pipeline_mode<synchronous>, transform_indices = @transform_7, window_bounds = array<i64: 256, 512>}, {pipeline_mode = #tpu.pipeline_mode<synchronous>, transform_indices = @transform_8, window_bounds = array<i64: 1, 256>}, {pipeline_mode = #tpu.pipeline_mode<synchronous>, transform_indices = @transform_9, window_bounds = array<i64: 128, 256>}, {pipeline_mode = #tpu.pipeline_mode<synchronous>, transform_indices = @transform_10, window_bounds = array<i64: 1, 1>}, {transform_indices = @transform_11, window_bounds = array<i64: 1024, 1>}]} {
    %get3A = arith.constant 0 : index
    %get3A_0 = arith.constant 0 : index
    %get3A_1 = vector.load %arg1[%get3A, %get3A_0] : memref<1024x832xf32, #tpu.memory_space<vmem>>, vector<1024x832xf32>
    %get3A_2 = arith.constant 0 : index
    %get3A_3 = arith.constant 0 : index
    %get3A_4 = vector.load %arg3[%get3A_2, %get3A_3] : memref<1024x832xf32, #tpu.memory_space<vmem>>, vector<1024x832xf32>
    %dot_general3A = arith.constant dense<0.000000e+00> : vector<1024x1024xf32>
    %dot_general3A_5 = tpu.matmul %get3A_1, %get3A_4, %dot_general3A {dimension_numbers = #tpu.dot_dimension_numbers<[1], [1], [0], [0], [0, 0, 1, 0], [], []>, transpose_lhs_hint = false} : vector<1024x832xf32>, vector<1024x832xf32>, vector<1024x1024xf32> -> vector<1024x1024xf32>
    %get3A_6 = arith.constant 0 : index
    %get3A_7 = arith.constant 0 : index
    %get3A_8 = vector.load %arg2[%get3A_6, %get3A_7] : memref<1024x13xf32, #tpu.memory_space<vmem>>, vector<1024x13xf32>
    %get3A_9 = arith.constant 0 : index
    %get3A_10 = arith.constant 0 : index
    %get3A_11 = vector.load %arg4[%get3A_9, %get3A_10] : memref<1024x13xf32, #tpu.memory_space<vmem>>, vector<1024x13xf32>
    %dot_general3A_12 = arith.constant dense<0.000000e+00> : vector<1024x1024xf32>
    %dot_general3A_13 = tpu.matmul %get3A_8, %get3A_11, %dot_general3A_12 {dimension_numbers = #tpu.dot_dimension_numbers<[1], [1], [0], [0], [0, 0, 1, 0], [], []>, transpose_lhs_hint = false} : vector<1024x13xf32>, vector<1024x13xf32>, vector<1024x1024xf32> -> vector<1024x1024xf32>
    %add3A = arith.addf %dot_general3A_5, %dot_general3A_13 : vector<1024x1024xf32>
    %get3A_14 = arith.constant 0 : index
    %get3A_15 = arith.constant 0 : index
    %get3A_16 = vector.load %arg5[%get3A_14, %get3A_15] : memref<1x1024xf32, #tpu.memory_space<vmem>>, vector<1x1024xf32>
    %add3A_17 = vector.broadcast %get3A_16 : vector<1x1024xf32> to vector<1024x1024xf32>
    %add3A_18 = arith.addf %add3A, %add3A_17 : vector<1024x1024xf32>
    %max3A = arith.constant 0.000000e+00 : f32
    %max3A_19 = vector.broadcast %max3A : f32 to vector<1024x1024xf32>
    %max3A_20 = arith.maximumf %add3A_18, %max3A_19 : vector<1024x1024xf32>
    %get3A_21 = arith.constant 0 : index
    %get3A_22 = arith.constant 0 : index
    %get3A_23 = vector.load %arg6[%get3A_21, %get3A_22] : memref<512x1024xf32, #tpu.memory_space<vmem>>, vector<512x1024xf32>
    %dot_general3A_24 = arith.constant dense<0.000000e+00> : vector<1024x512xf32>
    %dot_general3A_25 = tpu.matmul %max3A_20, %get3A_23, %dot_general3A_24 {dimension_numbers = #tpu.dot_dimension_numbers<[1], [1], [0], [0], [0, 0, 1, 0], [], []>, transpose_lhs_hint = false} : vector<1024x1024xf32>, vector<512x1024xf32>, vector<1024x512xf32> -> vector<1024x512xf32>
    %get3A_26 = arith.constant 0 : index
    %get3A_27 = arith.constant 0 : index
    %get3A_28 = vector.load %arg7[%get3A_26, %get3A_27] : memref<1x512xf32, #tpu.memory_space<vmem>>, vector<1x512xf32>
    %add3A_29 = vector.broadcast %get3A_28 : vector<1x512xf32> to vector<1024x512xf32>
    %add3A_30 = arith.addf %dot_general3A_25, %add3A_29 : vector<1024x512xf32>
    %max3A_31 = arith.constant 0.000000e+00 : f32
    %max3A_32 = vector.broadcast %max3A_31 : f32 to vector<1024x512xf32>
    %max3A_33 = arith.maximumf %add3A_30, %max3A_32 : vector<1024x512xf32>
    %get3A_34 = arith.constant 0 : index
    %get3A_35 = arith.constant 0 : index
    %get3A_36 = vector.load %arg8[%get3A_34, %get3A_35] : memref<256x512xf32, #tpu.memory_space<vmem>>, vector<256x512xf32>
    %dot_general3A_37 = arith.constant dense<0.000000e+00> : vector<1024x256xf32>
    %dot_general3A_38 = tpu.matmul %max3A_33, %get3A_36, %dot_general3A_37 {dimension_numbers = #tpu.dot_dimension_numbers<[1], [1], [0], [0], [0, 0, 1, 0], [], []>, transpose_lhs_hint = false} : vector<1024x512xf32>, vector<256x512xf32>, vector<1024x256xf32> -> vector<1024x256xf32>
    %get3A_39 = arith.constant 0 : index
    %get3A_40 = arith.constant 0 : index
    %get3A_41 = vector.load %arg9[%get3A_39, %get3A_40] : memref<1x256xf32, #tpu.memory_space<vmem>>, vector<1x256xf32>
    %add3A_42 = vector.broadcast %get3A_41 : vector<1x256xf32> to vector<1024x256xf32>
    %add3A_43 = arith.addf %dot_general3A_38, %add3A_42 : vector<1024x256xf32>
    %max3A_44 = arith.constant 0.000000e+00 : f32
    %max3A_45 = vector.broadcast %max3A_44 : f32 to vector<1024x256xf32>
    %max3A_46 = arith.maximumf %add3A_43, %max3A_45 : vector<1024x256xf32>
    %get3A_47 = arith.constant 0 : index
    %get3A_48 = arith.constant 0 : index
    %get3A_49 = vector.load %arg10[%get3A_47, %get3A_48] : memref<128x256xf32, #tpu.memory_space<vmem>>, vector<128x256xf32>
    %dot_general3A_50 = arith.constant dense<0.000000e+00> : vector<1024x128xf32>
    %dot_general3A_51 = tpu.matmul %max3A_46, %get3A_49, %dot_general3A_50 {dimension_numbers = #tpu.dot_dimension_numbers<[1], [1], [0], [0], [0, 0, 1, 0], [], []>, transpose_lhs_hint = false} : vector<1024x256xf32>, vector<128x256xf32>, vector<1024x128xf32> -> vector<1024x128xf32>
    %slice3A = vector.extract_strided_slice %dot_general3A_51 {offsets = [0, 0], sizes = [1024, 1], strides = [1, 1]} : vector<1024x128xf32> to vector<1024x1xf32>
    %get3A_52 = arith.constant 0 : index
    %get3A_53 = arith.constant 0 : index
    %get3A_54 = vector.load %arg11[%get3A_52, %get3A_53] : memref<1x1xf32, #tpu.memory_space<vmem>>, vector<1x1xf32>
    %get3A_55 = vector.extract %get3A_54[0, 0] : f32 from vector<1x1xf32>
    %add3A_56 = vector.broadcast %get3A_55 : f32 to vector<1024x1xf32>
    %add3A_57 = arith.addf %slice3A, %add3A_56 : vector<1024x1xf32>
    %logistic3A = arith.negf %add3A_57 : vector<1024x1xf32>
    %logistic3A_58 = math.exp %logistic3A : vector<1024x1xf32>
    %logistic3A_59 = arith.constant 1.000000e+00 : f32
    %logistic3A_60 = vector.broadcast %logistic3A_59 : f32 to vector<1024x1xf32>
    %logistic3A_61 = arith.addf %logistic3A_60, %logistic3A_58 : vector<1024x1xf32>
    %logistic3A_62 = arith.divf %logistic3A_60, %logistic3A_61 : vector<1024x1xf32>
    %swap3A = arith.constant 0 : index
    %swap3A_63 = arith.constant 0 : index
    %swap3A_64 = vector.load %arg12[%swap3A, %swap3A_63] : memref<1024x1xf32, #tpu.memory_space<vmem>>, vector<1024x1xf32>
    tpu.vector_store %arg12[%swap3A, %swap3A_63], %logistic3A_62 {strides = array<i32>} : memref<1024x1xf32, #tpu.memory_space<vmem>>, vector<1024x1xf32>,
    return
  }
  func.func @transform_0(%arg0: i32) -> (i32, i32) {
    %c0_i32 = arith.constant 0 : i32
    %c0_i32_0 = arith.constant 0 : i32
    return %arg0, %c0_i32 : i32, i32
  }
  func.func @transform_1(%arg0: i32) -> (i32, i32) {
    %c0_i32 = arith.constant 0 : i32
    %c0_i32_0 = arith.constant 0 : i32
    return %arg0, %c0_i32 : i32, i32
  }
  func.func @transform_2(%arg0: i32) -> (i32, i32) {
    %c0_i32 = arith.constant 0 : i32
    %c0_i32_0 = arith.constant 0 : i32
    %c0_i32_1 = arith.constant 0 : i32
    return %c0_i32, %c0_i32_0 : i32, i32
  }
  func.func @transform_3(%arg0: i32) -> (i32, i32) {
    %c0_i32 = arith.constant 0 : i32
    %c0_i32_0 = arith.constant 0 : i32
    %c0_i32_1 = arith.constant 0 : i32
    return %c0_i32, %c0_i32_0 : i32, i32
  }
  func.func @transform_4(%arg0: i32) -> (i32, i32) {
    %c0_i32 = arith.constant 0 : i32
    %c0_i32_0 = arith.constant 0 : i32
    %c0_i32_1 = arith.constant 0 : i32
    return %c0_i32, %c0_i32_0 : i32, i32
  }
  func.func @transform_5(%arg0: i32) -> (i32, i32) {
    %c0_i32 = arith.constant 0 : i32
    %c0_i32_0 = arith.constant 0 : i32
    %c0_i32_1 = arith.constant 0 : i32
    return %c0_i32, %c0_i32_0 : i32, i32
  }
  func.func @transform_6(%arg0: i32) -> (i32, i32) {
    %c0_i32 = arith.constant 0 : i32
    %c0_i32_0 = arith.constant 0 : i32
    %c0_i32_1 = arith.constant 0 : i32
    return %c0_i32, %c0_i32_0 : i32, i32
  }
  func.func @transform_7(%arg0: i32) -> (i32, i32) {
    %c0_i32 = arith.constant 0 : i32
    %c0_i32_0 = arith.constant 0 : i32
    %c0_i32_1 = arith.constant 0 : i32
    return %c0_i32, %c0_i32_0 : i32, i32
  }
  func.func @transform_8(%arg0: i32) -> (i32, i32) {
    %c0_i32 = arith.constant 0 : i32
    %c0_i32_0 = arith.constant 0 : i32
    %c0_i32_1 = arith.constant 0 : i32
    return %c0_i32, %c0_i32_0 : i32, i32
  }
  func.func @transform_9(%arg0: i32) -> (i32, i32) {
    %c0_i32 = arith.constant 0 : i32
    %c0_i32_0 = arith.constant 0 : i32
    %c0_i32_1 = arith.constant 0 : i32
    return %c0_i32, %c0_i32_0 : i32, i32
  }
  func.func @transform_10(%arg0: i32) -> (i32, i32) {
    %c0_i32 = arith.constant 0 : i32
    %c0_i32_0 = arith.constant 0 : i32
    %c0_i32_1 = arith.constant 0 : i32
    return %c0_i32, %c0_i32_0 : i32, i32
  }
  func.func @transform_11(%arg0: i32) -> (i32, i32) {
    %c0_i32 = arith.constant 0 : i32
    %c0_i32_0 = arith.constant 0 : i32
    return %arg0, %c0_i32 : i32, i32
  }
}

</mosaic_0001>

<sc_bundles>
// kernel: kernel.4.cloned.1.call-start
scs
__scs_entry_jumppad:
0x0: {  	(pc) =	sbr.rel $0x88, $3  }
0x1: {  	(tag) =	ssettag $0x0;
	lr =	simm.s32 $0x1  }
0x2: {  	[smem:$0x3F96] =	sst lr;
	_ =	strace $0xD0000000  }
0x3: {  	_ = 	snop  }
0x4: {  	_ = 	snop  }
0x5: {  	_ = 	snop  }
0x6: {  	_ = 	snop  }
0x7: {  	_ = 	snop  }
__scs_overlays_trampoline_lowered:
0x8: {  	[smem:$0x3FA5] =	sst s0  }
0x9: {  	[smem:$0x3FA6] =	sst s1  }
0xa: {  	[smem:$0x3FA7] =	sst s2  }
0xb: {  	[smem:$0x3FA8] =	sst s3  }
0xc: {  	[smem:$0x3FA9] =	sst s4  }
0xd: {  	[smem:$0x3FAA] =	sst s5  }
0xe: {  	[smem:$0x3FAB] =	sst s6  }
0xf: {  	[smem:$0x3FAC] =	sst s7  }
0x10: {  	[smem:$0x3FAD] =	sst s8  }
0x11: {  	[smem:$0x3FAE] =	sst s9;
	s0 =	simm.s32 @!p0 $0x0  }
0x12: {  	s1 =	sld [smem:$0x3F94];
	s0 =	simm.s32 @p0 $0x1  }
0x13: {  	[smem:$0x3FAF] =	sst s0;
	s0 =	simm.s32 @!p1 $0x0  }
0x14: {  	s2 =	sld [smem:$0x3F93];
	s0 =	simm.s32 @p1 $0x1  }
0x15: {  	[smem:$0x3FB0] =	sst s0;
	s0 =	simm.s32 @!p2 $0x0  }
0x16: {  	s3 =	sld [smem:$0x3FDB];
	s0 =	simm.s32 @p2 $0x1  }
0x17: {  	s4 =	simm.s32 $0x1BF5;
	[smem:$0x3FB2] =	sst s0  }
0x18: {  	s0 =	sld [smem:$0x3F95];
	_ =	swait.ge [sflag:s4], $0x0  }
0x19: {  	s7 =	sld [smem:$0x3F96]  }
0x1a: {  	s8 =	sadd.s32 $0xFFFFE003, lr  }
0x1b: {  	s9 =	sadd.s32 $0xFFFFFEF7, lr;
	s5 =	simm.s32 $0xFFFFFFFF;
	p2 =	slt.u32 s8, $0xFFFFF086  }
0x1c: {  	p1 =	slt.u32 s9, $0xF7A;
	s5 =	simm.s32 @!p2 $0x0  }
0x1d: {  	s5 =	simm.s32 @p1 $0x1;
	p0 =	seq.s32 s7, s2  }
0x1e: {  	s7 =	smul.u32 @!p0 $0xF7A, s2;
	p2 =	seq.s32 @!p0 s5, $0x0  }
0x1f: {  	s9 =	smul.u32 $0xF7A, s1;
	s8 =	simm.s32 @!p0 $0x1BF5;
	p2 =	por !p2, p0  }
0x20: {  	[sflag:s8] =	ssyncset.s32 @!p0 $0xFFFFF086;
	s6 =	sadd.s32 @!p0 s3, s7;
	s7 =	simm.s32 @!p0 $0x108  }
0x21: {  	s3 =	sadd.s32 s3, s9;
	s6 =	sadd.s32 @!p0 $0x88, s6;
	s7 =	simm.s32 @p2 $0x1082  }
0x22: {  	[simem:s7], [sflag:s8] =	dma.local @!p0 [hbm:s6], $0xF7A  }
0x23: {  	s9 =	sor.u32 $0xD0000000, s2;
	s6 =	simm.s32 $0x108;
	_ =	swait.ge @!p0 [sflag:s8], $0x0  }
0x24: {  	s3 =	sadd.s32 $0x88, s3;
	s6 =	simm.s32 @!p1 $0x1082;
	[sflag:s4] =	ssyncset.s32 $0xFFFFF086  }
0x25: {  	[simem:s6], [sflag:s4] =	dma.local [hbm:s3], $0xF7A  }
0x26: {  	[smem:$0x3F96] =	sst s1;
	(tag) =	ssettag s2;
	_ =	strace s9  }
0x27: {  	s1 =	sld [smem:$0x3FA6]  }
0x28: {  	s2 =	sld [smem:$0x3FA7]  }
0x29: {  	s4 =	sld [smem:$0x3FA9]  }
0x2a: {  	p0 =	seq.s32 s5, $0x0;
	s5 =	sld [smem:$0x3FAA]  }
0x2b: {  	s6 =	sld [smem:$0x3FAB]  }
0x2c: {  	s7 =	sld [smem:$0x3FAC]  }
0x2d: {  	s3 =	simm.s32 $0x108;
	s8 =	sld [smem:$0x3FAD]  }
0x2e: {  	s3 =	simm.s32 @!p0 $0x1082;
	s9 =	sld [smem:$0x3FAE]  }
0x2f: {  	lr =	sadd.s32 s0, s3;
	s0 =	sld [smem:$0x3FA5]  }
0x30: {  	s3 =	sld [smem:$0x3FA8]  }
0x31: {  	[smem:$0x3FB1] =	sst s10  }
0x32: {  	s10 =	sld [smem:$0x3FAF];
	_ =	sdelay $0x3  }
0x33: {  	p0 =	seq.s32 s10, $0x1;
	s10 =	sld [smem:$0x3FB1];
	_ =	sdelay $0x3  }
0x34: {  	[smem:$0x3FB1] =	sst s10  }
0x35: {  	s10 =	sld [smem:$0x3FB0];
	_ =	sdelay $0x3  }
0x36: {  	p1 =	seq.s32 s10, $0x1;
	s10 =	sld [smem:$0x3FB1];
	_ =	sdelay $0x3  }
0x37: {  	[smem:$0x3FB1] =	sst s10  }
0x38: {  	s10 =	sld [smem:$0x3FB2]  }
0x39: {  	_ = 	snop;
	(pc) =	sbr.ind lr, $3  }
0x3a: {  	_ = 	snop  }
0x3b: {  	_ = 	snop  }
0x3c: {  	p2 =	seq.s32 s10, $0x1;
	s10 =	sld [smem:$0x3FB1]  }
0x3d: {  	_ =	shalt  }
0x3e: {  	_ =	shalt  }
0x3f: {  	_ =	shalt  }
0x40: {  	_ =	shalt  }
0x41: {  	_ =	shalt  }
0x42: {  	_ =	shalt  }
0x43: {  	_ =	shalt  }
0x44: {  	_ =	shalt  }
0x45: {  	_ =	shalt  }
0x46: {  	_ =	shalt  }
0x47: {  	_ =	shalt  }
0x48: {  	_ =	shalt  }
0x49: {  	_ =	shalt  }
0x4a: {  	_ =	shalt  }
0x4b: {  	_ =	shalt  }
0x4c: {  	_ =	shalt  }
0x4d: {  	_ =	shalt  }
0x4e: {  	_ =	shalt  }
0x4f: {  	_ =	shalt  }
0x50: {  	_ =	shalt  }
0x51: {  	_ =	shalt  }
0x52: {  	_ =	shalt  }
0x53: {  	_ =	shalt  }
0x54: {  	_ =	shalt  }
0x55: {  	_ =	shalt  }
0x56: {  	_ =	shalt  }
0x57: {  	_ =	shalt  }
0x58: {  	_ =	shalt  }
0x59: {  	_ =	shalt  }
0x5a: {  	_ =	shalt  }
0x5b: {  	_ =	shalt  }
0x5c: {  	_ =	shalt  }
0x5d: {  	_ =	shalt  }
0x5e: {  	_ =	shalt  }
0x5f: {  	_ =	shalt  }
0x60: {  	_ =	shalt  }
0x61: {  	_ =	shalt  }
0x62: {  	_ =	shalt  }
0x63: {  	_ =	shalt  }
0x64: {  	_ =	shalt  }
0x65: {  	_ =	shalt  }
0x66: {  	_ =	shalt  }
0x67: {  	_ =	shalt  }
0x68: {  	_ =	shalt  }
0x69: {  	_ =	shalt  }
0x6a: {  	_ =	shalt  }
0x6b: {  	_ =	shalt  }
0x6c: {  	_ =	shalt  }
0x6d: {  	_ =	shalt  }
0x6e: {  	_ =	shalt  }
0x6f: {  	_ =	shalt  }
0x70: {  	_ =	shalt  }
0x71: {  	_ =	shalt  }
0x72: {  	_ =	shalt  }
0x73: {  	_ =	shalt  }
0x74: {  	_ =	shalt  }
0x75: {  	_ =	shalt  }
0x76: {  	_ =	shalt  }
0x77: {  	_ =	shalt  }
0x78: {  	_ =	shalt  }
0x79: {  	_ =	shalt  }
0x7a: {  	_ =	shalt  }
0x7b: {  	_ =	shalt  }
0x7c: {  	_ =	shalt  }
0x7d: {  	_ =	shalt  }
0x7e: {  	_ =	shalt  }
0x7f: {  	_ =	shalt  }
0x80: {  	_ =	shalt  }
0x81: {  	_ =	shalt  }
0x82: {  	_ =	shalt  }
0x83: {  	_ =	shalt  }
0x84: {  	_ =	shalt  }
0x85: {  	_ =	shalt  }
0x86: {  	_ =	shalt  }
0x87: {  	_ =	shalt  }
.Lfunc_end0:
.L_simem_size_0:
called_computation_lowered:
.L_overlay_start_0:
0x88: {  	s2 =	sld [smem:$0x3FD9]  }
0x89: {  	s3 =	sld [smem:$0x3FFE];
	_ =	sdelay $0x1  }
0x8a: {  	s1 =	srdreg.scid  }
0x8b: {  	s0 =	sand.u32 $0x1, s1  }
0x8c: {  	s16 =	sshll.u32 s0, $0xA;
	s2 =	sadd.s32 s3, s2  }
0x8d: {  	s2 =	sadd.s32 s2, s16  }
0x8e: {  	[smem:$0x3FBD] =	sst s2  }
0x8f: {  	_ = 	snop  }
0x90: {  	(tm) =	ssettm $0x1  }
0x91: {  	s17 =	sld [smem:$0x3FFB];
	_ =	sdelay $0x3  }
0x92: {  	_ =	strace s17  }
0x93: {  	s2 =	sld [smem:$0x3FFC];
	_ =	sdelay $0x3  }
0x94: {  	_ =	strace s2  }
0x95: {  	s2 =	sld [smem:$0x3FFD];
	_ =	sdelay $0x3  }
0x96: {  	_ =	strace s2  }
0x97: {  	_ =	strace $0x8FFFFFFF  }
0x98: {  	s18 =	sld [smem:$0x3FDB];
	_ =	sdelay $0x1  }
0x99: {  	s19 =	simm.s32 $_scs_section_size  }
0x9a: {  	s4 =	simm.s32 $_size__tile_overlayer_lowered;
	s5 =	simm.s32 $_tile_overlayer_lowered  }
0x9b: {  	s22 =	simm.s32 $0x1BFF;
	s21 =	sshll.u32 s5, $0x1;
	s2 =	sadd.s32 s19, s18  }
0x9c: {  	s6 =	simm.s32 $0x0;
	s20 =	sshll.u32 s4, $0x1;
	s4 =	sadd.s32 s21, s2  }
0x9d: {  	[timem:s6], [sflag:s22] =	dma.local [hbm:s4], s20  }
0x9e: {  	_ =	swait.ge [sflag:s22], s20  }
0x9f: {  	s3 =	ssub.s32 $0x0, s20;
	[sflag:s22] =	ssyncset.done $0x0  }
0xa0: {  	[sflag:s22] =	ssyncadd.s32 s3;
	_ =	sdelay $0x1  }
0xa1: {  	s23 =	simm.s32 $0x1B8B  }
0xa2: {  	_ =	swait.ge [sflag:s23], $0x1  }
0xa3: {  	[sflag:s23] =	ssyncset.done $0x0  }
0xa4: {  	s25 =	simm.s32 $0x1B8E;
	s24 =	sld [smem:$0x3FFE];
	[sflag:s23] =	ssyncadd.s32 $0xFFFFFFFF  }
0xa5: {  	s26 =	simm.s32 $execute0_lowered;
	[smem:$0x3FD2] =	sst s25  }
0xa6: {  	s4 =	sshll.u32 s26, $0x1;
	_ =	strace $0x80000046;
	[dreg:$0x1] =	wrdreg $0xFFFFFFFF  }
0xa7: {  	s28 =	simm.s32 $_size_execute0_lowered;
	s2 =	sadd.s32 s2, s4;
	[dreg:$0x0] =	wrdreg $0x0  }
0xa8: {  	s4 =	sshll.u32 s28, $0x1;
	[dreg:$0x2] =	wrdreg s2  }
0xa9: {  	[dreg:$0x3] =	wrdreg s4  }
0xaa: {  	[dreg:$0x4] =	wrdreg $0xC0  }
0xab: {  	_ =	task [dreg:s6], $0x5FFFF  }
0xac: {  	[dreg:$0x1] =	wrdreg $0xFFFFFFFF  }
0xad: {  	[dreg:$0x0] =	wrdreg $0x60  }
0xae: {  	[dreg:$0x2] =	wrdreg s24  }
0xaf: {  	[dreg:$0x3] =	wrdreg $0x9  }
0xb0: {  	_ =	task.clear_ibuf [dreg:s6], $0x4FFFF;
	_ =	strace $0x90000046  }
0xb1: {  	s29 =	simm.s32 $0x9;
	_ =	strace $0x80000048  }
0xb2: {  	_ =	swait.ge [sflag:s29], $0x1  }
0xb3: {  	[sflag:s29] =	ssyncadd.s32 $0xFFFFFFFF  }
0xb4: {  	_ =	strace $0x90000048  }
0xb5: {  	_ =	sfence  }
0xb6: {  	s30 =	sld [smem:$0x0];
	_ =	sdelay $0x2  }
0xb7: {  	s31 =	sshll.u32 s1, $0xD;
	s1 =	sshrl.u32 s1, $0x2  }
0xb8: {  	s3 =	sand.u32 $0x4000, s31;
	s1 =	sadd.s32 s1, s30  }
0xb9: {  	s0 =	sor.u32 s3, s0;
	s1 =	sshll.u32 s1, $0x11  }
0xba: {  	s0 =	sor.u32 s1, s0  }
0xbb: {  	s0 =	sadd.s32 $0x8F2B, s0  }
0xbc: {  	[sflag:s0] =	ssyncadd.remote.s32 $0x1  }
0xbd: {  	_ =	sfence.sel $0xFFFF  }
0xbe: {  	[dreg:$0x0] =	wrdreg $0xFFFFFFFF;
	(pc) =	sbr.abs _section_cstart, $3  }
0xbf: {  	[dreg:$0x1] =	wrdreg $0xFFFFFFFF  }
0xc0: {  	_ =	task.clear_ibuf [dreg:s6], $0x2FFFF;
	_ =	strace $0x9FFFFFFF  }
0xc1: {  	(tm) =	ssettm $0x7FFFFFFF  }
tec
execute0_lowered:
.L_overlay_start_1:
0x0: {  	(tag) =	ssettag $0x1  }
0x1: {  	s1 =	srdreg.scid  }
0x2: {  	s0 =	stileid.u32;
	s4 =	rddreg [dreg:$0x0];
	s2 =	simm.s32 $0x0  }
0x3: {  	v0 =	vlaneseq.u32;
	s9 =	simm.s32 $0x4D00;
	s3 =	sand.u32 $0x1, s1;
	s5 =	sshll.u32 s0, $0x1  }
0x4: {  	v2 =	vimm.s32 $0x0;
	v4 =	vimm.s32 $0x1;
	v5 =	vimm.s32 $0x2;
	s10 =	simm.s32 $0x0;
	s1 =	rddreg [dreg:$0x1];
	s5 =	sor.u32 s3, s5  }
0x5: {  	v6 =	vimm.s32 $0x3;
	v7 =	vimm.s32 $0x4;
	v8 =	vimm.s32 $0x5;
	[smem:$0x7FF] =	sst s2;
	s7 =	ssub.s32 $0x2, s3;
	s6 =	smul.u32 $0x1A0, s5  }
0x6: {  	v9 =	vimm.s32 $0x6;
	v10 =	vimm.s32 $0x7;
	v11 =	vimm.s32 $0x8;
	_ =	strace $0x80000047;
	s5 =	smul.u32 $0x3400, s5;
	s8 =	sshrl.u32 s7, $0x1  }
0x7: {  	v12 =	vimm.s32 $0x9;
	v13 =	vimm.s32 $0xA;
	v1 =	vmul.u32 $0x186A0, v0;
	s3 =	sadd.s32 $0x1C00, s4;
	s7 =	ssub.s32 s7, s8;
	s6 =	sadd.s32 s6, s4  }
0x8: {  	v14 =	vimm.s32 $0xB;
	v15 =	vimm.s32 $0xC;
	v16 =	vimm.s32 $0xD;
	s8 =	simm.s32 $0x1;
	s5 =	sadd.s32 s5, s4;
	s4 =	sadd.s32 $0x9ECE00, s6  }
0x9: {  	v17 =	vimm.s32 $0xE;
	v18 =	vimm.s32 $0xF;
	v3 =	vadd.s32 $0x186A00, v1;
	s5 =	sadd.s32 $0x9F0200, s5;
	s6 =	smax.u32 s7, $0x1;
	s7 =	simm.s32 $0x2  }
.LBB2_1:
0xa: {  	[tilespmem:s2], [sflag:$0x2] =	stream.linear.gather [hbm4b:s4+s2], $0xD00, $0x38;
	[tilespmem:$0x1ED00] =	vst v63  }
0xb: {  	_ =	swait.ge [sflag:s7], $0xD00  }
0xc: {  	p0 =	por $0x1, $0x1;
	[sflag:s7] =	ssyncset.done $0x0  }
0xd: {  	s11 =	simm.s32 @!p0 $0x1;
	[sflag:s7] =	ssyncadd.s32 $0xFFFFF300  }
0xe: {  	_ =	swait.ge @!p0 [sflag:s11], $0x80  }
0xf: {  	[sflag:s11] =	ssyncset.done @!p0 $0x0  }
0x10: {  	[sflag:s11] =	ssyncadd.s32 @!p0 $0xFFFFFF80  }
0x11: {  	_ =	swait.ge @!p0 [sflag:s11], $0x80  }
0x12: {  	[sflag:s11] =	ssyncset.done @!p0 $0x0  }
0x13: {  	[sflag:s11] =	ssyncadd.s32 @!p0 $0xFFFFFF80  }
0x14: {  	_ =	swait.ge @!p0 [sflag:s11], $0x80  }
0x15: {  	[sflag:s11] =	ssyncset.done @!p0 $0x0  }
0x16: {  	v19 =	vor.u32 s2, v0;
	[sflag:s11] =	ssyncadd.s32 @!p0 $0xFFFFFF80  }
0x17: {  	v20 =	vmulhi.u32 $0x4EC4EC4F, v19;
	_ =	swait.ge @!p0 [sflag:s11], $0x80  }
0x18: {  	[sflag:s11] =	ssyncset.done @!p0 $0x0  }
0x19: {  	v20 =	vshrl.u32 v20, $0x3;
	[sflag:s11] =	ssyncadd.s32 @!p0 $0xFFFFFF80  }
0x1a: {  	v20 =	vmul.u32 $0x1A, v20;
	v21 =	vld [tilespmem:s2+$0x0];
	_ =	sdelay $0x1  }
0x1b: {  	v19 =	vsub.s32 v19, v20  }
0x1c: {  	v19 =	vmul.u32 $0x30D400, v19;
	_ =	sdelay $0x1  }
0x1d: {  	v19 =	vadd.s32 v19, v21  }
0x1e: {  	v22 =	vperm.xlane v19, v2;
	v20 =	vperm.xlane v19, v5  }
0x1f: {  	v21 =	vperm.xlane v19, v8;
	v24 =	vperm.xlane v19, v17  }
0x20: {  	s12 =	sand.u32 $0x3E00, s2;
	v32 =	vperm.xlane v19, v9;
	v23 =	vadd.s32 v3, v22;
	v25 =	vadd.s32 v1, v20  }
0x21: {  	v20 =	vadd.s32 v3, v20;
	v29 =	vadd.s32 v1, v24;
	v27 =	vadd.s32 v3, v24;
	[tilespmem:s12+$0xD10] =	vst v23  }
0x22: {  	v24 =	vperm.xlane v19, v6;
	v26 =	vadd.s32 v1, v21;
	v30 =	vadd.s32 v3, v21;
	[tilespmem:s12+$0xD40] =	vst v25  }
0x23: {  	v31 =	vadd.s32 v1, v32;
	v23 =	vperm.xlane v19, v4;
	v25 =	vperm.xlane v19, v7;
	[tilespmem:s12+$0xDA0] =	vst v26  }
0x24: {  	v32 =	vadd.s32 v3, v32;
	v26 =	vperm.xlane v19, v18;
	[tilespmem:s12+$0xDB0] =	vst v30;
	v30 =	vperm.xlane v19, v12  }
0x25: {  	s13 =	simm.s32 $0x800;
	s14 =	simm.s32 $0x10;
	s15 =	simm.s32 $0x200;
	[tilespmem:s12+$0xD50] =	vst v20;
	v28 =	vadd.s32 v1, v24;
	v21 =	vadd.s32 v3, v24;
	v20 =	vadd.s32 v1, v25  }
0x26: {  	s16 =	simm.s32 $0x0;
	s17 =	simm.s32 $0x0;
	s11 =	simm.s32 $0x0;
	v24 =	vperm.xlane v19, v10;
	[tilespmem:s12+$0xD80] =	vst v20;
	v20 =	vadd.s32 v3, v25;
	v25 =	vperm.xlane v19, v11  }
.LBB2_2:
0x27: {  	s16 =	sadd.s32 $0x1, s16  }
0x28: {  	v33 =	vperm.xlane v19, v13;
	v34 =	vperm.xlane v19, v14;
	[tilespmem:s12+$0xEC0] =	vst v29;
	v29 =	vadd.s32 v1, v26;
	s17 =	sadd.s32 $0x10, s17;
	s18 =	smov.u32 s13;
	s13 =	sadd.s32 $0x800, s13  }
0x29: {  	v35 =	vperm.xlane v19, v15;
	p0 =	sne.s32 s13, $0x68000;
	[tilespmem:s12+$0xDD0] =	vst v32;
	v32 =	vadd.s32 v1, v30;
	v30 =	vadd.s32 v3, v30  }
0x2a: {  	v36 =	vadd.s32 v3, v33;
	v37 =	vadd.s32 v1, v34;
	v34 =	vadd.s32 v3, v34;
	[tilespmem:s12+$0xEE0] =	vst v29  }
0x2b: {  	v38 =	vadd.s32 v1, v25;
	v29 =	vadd.s32 v1, v24;
	v24 =	vadd.s32 v3, v24;
	[tilespmem:s12+$0xED0] =	vst v27  }
0x2c: {  	v25 =	vadd.s32 v3, v25;
	v27 =	vadd.s32 v1, v35;
	[tilespmem:s12+$0xDC0] =	vst v31;
	v31 =	vadd.s32 v3, v35  }
0x2d: {  	v19 =	vperm.xlane v19, v16;
	v26 =	vadd.s32 v3, v26;
	v33 =	vadd.s32 v1, v33;
	[tilespmem:s12+$0xE70] =	vst v34  }
0x2e: {  	v22 =	vadd.s32 v1, v22;
	v34 =	vadd.s32 v1, v23;
	v23 =	vadd.s32 v3, v23;
	[tilespmem:s12+$0xD60] =	vst v28  }
0x2f: {  	v28 =	vadd.s32 v1, v19;
	v19 =	vadd.s32 v3, v19;
	[tilespmem:s12+$0xD20] =	vst v34  }
0x30: {  	[tilespmem:s12+$0xD00] =	vst v22  }
0x31: {  	[tilespmem:s12+$0xEF0] =	vst v26  }
0x32: {  	[tilespmem:s12+$0xE60] =	vst v37  }
0x33: {  	[tilespmem:s12+$0xD30] =	vst v23  }
0x34: {  	[tilespmem:s12+$0xE30] =	vst v30  }
0x35: {  	[tilespmem:s12+$0xEB0] =	vst v19  }
0x36: {  	[tilespmem:s12+$0xEA0] =	vst v28  }
0x37: {  	[tilespmem:s12+$0xE50] =	vst v36  }
0x38: {  	[tilespmem:s12+$0xE90] =	vst v31  }
0x39: {  	[tilespmem:s12+$0xE40] =	vst v33  }
0x3a: {  	[tilespmem:s12+$0xD70] =	vst v21  }
0x3b: {  	[tilespmem:s12+$0xE20] =	vst v32  }
0x3c: {  	[tilespmem:s12+$0xE80] =	vst v27  }
0x3d: {  	[tilespmem:s12+$0xD90] =	vst v20  }
0x3e: {  	[tilespmem:s12+$0xE00] =	vst v38  }
0x3f: {  	[tilespmem:s12+$0xE10] =	vst v25  }
0x40: {  	s19 =	sshra.s32 s11, $0x2;
	s11 =	smov.u32 s18;
	[tilespmem:s12+$0xDF0] =	vst v24  }
0x41: {  	s20 =	sadd.s32 $0xD00, s12;
	s21 =	sadd.s32 $0x4D00, s19;
	s18 =	simm.s32 $0x80;
	[tilespmem:s12+$0xDE0] =	vst v29  }
0x42: {  	[tilespmem:s21], [sflag:$0x1] =	stream.indirect.gather [hbm4b:s3+s18], $0x1, s20, s18, $0xb8;
	[tilespmem:$0x1ED00] =	vst v63  }
0x43: {  	s20 =	sadd.s32 $0xD80, s12;
	s21 =	sadd.s32 $0x4D80, s19  }
0x44: {  	[tilespmem:s21], [sflag:$0x1] =	stream.indirect.gather [hbm4b:s3+s18], $0x1, s20, s18, $0xb8;
	[tilespmem:$0x1ED00] =	vst v63  }
0x45: {  	p1 =	slt.u32 s16, $0x20;
	s20 =	sadd.s32 $0xE00, s12;
	s21 =	sadd.s32 $0x4E00, s19  }
0x46: {  	[tilespmem:s21], [sflag:$0x1] =	stream.indirect.gather [hbm4b:s3+s18], $0x1, s20, s18, $0xb8;
	[tilespmem:$0x1ED00] =	vst v63  }
0x47: {  	s12 =	sadd.s32 $0xE80, s12;
	s19 =	sadd.s32 $0x4E80, s19;
	s20 =	simm.s32 @!p1 $0x1  }
0x48: {  	[tilespmem:s19], [sflag:$0x1] =	stream.indirect.gather [hbm4b:s3+s18], $0x1, s12, s18, $0xb8;
	[tilespmem:$0x1ED00] =	vst v63  }
0x49: {  	_ =	swait.ge @!p1 [sflag:s20], $0x80  }
0x4a: {  	[sflag:s20] =	ssyncset.done @!p1 $0x0  }
0x4b: {  	[sflag:s20] =	ssyncadd.s32 @!p1 $0xFFFFFF80  }
0x4c: {  	_ =	swait.ge @!p1 [sflag:s20], $0x80  }
0x4d: {  	[sflag:s20] =	ssyncset.done @!p1 $0x0  }
0x4e: {  	[sflag:s20] =	ssyncadd.s32 @!p1 $0xFFFFFF80  }
0x4f: {  	_ =	swait.ge @!p1 [sflag:s20], $0x80  }
0x50: {  	[sflag:s20] =	ssyncset.done @!p1 $0x0  }
0x51: {  	v19 =	vor.u32 s14, v0;
	[sflag:s20] =	ssyncadd.s32 @!p1 $0xFFFFFF80  }
0x52: {  	v20 =	vmulhi.u32 $0x4EC4EC4F, v19;
	_ =	swait.ge @!p1 [sflag:s20], $0x80  }
0x53: {  	[sflag:s20] =	ssyncset.done @!p1 $0x0  }
0x54: {  	v20 =	vshrl.u32 v20, $0x3;
	[sflag:s20] =	ssyncadd.s32 @!p1 $0xFFFFFF80  }
0x55: {  	v20 =	vmul.u32 $0x1A, v20;
	v21 =	vld [tilespmem:s17+$0x0];
	_ =	sdelay $0x1  }
0x56: {  	v19 =	vsub.s32 v19, v20  }
0x57: {  	v19 =	vmul.u32 $0x30D400, v19;
	_ =	sdelay $0x1  }
0x58: {  	v19 =	vadd.s32 v19, v21  }
0x59: {  	v22 =	vperm.xlane v19, v2;
	v20 =	vperm.xlane v19, v5  }
0x5a: {  	v21 =	vperm.xlane v19, v8;
	v24 =	vperm.xlane v19, v17  }
0x5b: {  	s12 =	sand.u32 $0x3E00, s15;
	v23 =	vadd.s32 v3, v22;
	v25 =	vadd.s32 v1, v20;
	v20 =	vadd.s32 v3, v20  }
0x5c: {  	v29 =	vadd.s32 v1, v24;
	v27 =	vadd.s32 v3, v24;
	[tilespmem:s12+$0xD10] =	vst v23;
	v23 =	vperm.xlane v19, v4  }
.Ltmp0:
0x5d: {  	v24 =	vperm.xlane v19, v6;
	v26 =	vadd.s32 v1, v21;
	[tilespmem:s12+$0xD40] =	vst v25;
	v25 =	vperm.xlane v19, v7;
	(pc) =	sbr.rel @p0 .LBB2_2-.Ltmp0, $4  }
0x5e: {  	v32 =	vperm.xlane v19, v9;
	v30 =	vadd.s32 v3, v21;
	[tilespmem:s12+$0xDA0] =	vst v26;
	v26 =	vperm.xlane v19, v18  }
0x5f: {  	v28 =	vadd.s32 v1, v24;
	v21 =	vadd.s32 v3, v24;
	[tilespmem:s12+$0xD50] =	vst v20;
	v20 =	vadd.s32 v1, v25  }
0x60: {  	v24 =	vperm.xlane v19, v10;
	[tilespmem:s12+$0xD80] =	vst v20;
	v20 =	vadd.s32 v3, v25;
	v25 =	vperm.xlane v19, v11  }
0x61: {  	s14 =	sadd.s32 $0x10, s14;
	s15 =	sadd.s32 $0x200, s15;
	v31 =	vadd.s32 v1, v32;
	v32 =	vadd.s32 v3, v32;
	[tilespmem:s12+$0xDB0] =	vst v30;
	v30 =	vperm.xlane v19, v12  }
0x62: {  	[tilespmem:s12+$0xEC0] =	vst v29  }
0x63: {  	[tilespmem:s12+$0xDD0] =	vst v32  }
0x64: {  	[tilespmem:s12+$0xED0] =	vst v27  }
0x65: {  	[tilespmem:s12+$0xDC0] =	vst v31  }
0x66: {  	[tilespmem:s12+$0xD60] =	vst v28  }
0x67: {  	[tilespmem:s12+$0xD70] =	vst v21  }
0x68: {  	v49 =	vadd.s32 v1, v26;
	[tilespmem:s12+$0xD90] =	vst v20  }
0x69: {  	v52 =	vadd.s32 v1, v23;
	[tilespmem:s12+$0xEE0] =	vst v49  }
0x6a: {  	v22 =	vadd.s32 v1, v22;
	[tilespmem:s12+$0xD20] =	vst v52  }
0x6b: {  	v53 =	vadd.s32 v3, v26;
	[tilespmem:s12+$0xD00] =	vst v22  }
0x6c: {  	v56 =	vadd.s32 v3, v23;
	[tilespmem:s12+$0xEF0] =	vst v53  }
0x6d: {  	v20 =	vadd.s32 v3, v25;
	[tilespmem:s12+$0xD30] =	vst v56  }
0x6e: {  	v57 =	vadd.s32 v3, v30;
	[tilespmem:s12+$0xE10] =	vst v20  }
0x6f: {  	v50 =	vperm.xlane v19, v14;
	v63 =	vadd.s32 v1, v30;
	[tilespmem:s12+$0xE30] =	vst v57  }
0x70: {  	v20 =	vadd.s32 v1, v24;
	[tilespmem:s12+$0xE20] =	vst v63  }
0x71: {  	v55 =	vperm.xlane v19, v16;
	v51 =	vadd.s32 v3, v50;
	[tilespmem:s12+$0xDE0] =	vst v20  }
0x72: {  	v54 =	vadd.s32 v1, v50;
	[tilespmem:s12+$0xE70] =	vst v51  }
0x73: {  	v58 =	vperm.xlane v19, v13;
	v59 =	vadd.s32 v3, v55;
	[tilespmem:s12+$0xE60] =	vst v54  }
0x74: {  	v19 =	vperm.xlane v19, v15;
	v60 =	vadd.s32 v1, v55;
	[tilespmem:s12+$0xEB0] =	vst v59  }
0x75: {  	v61 =	vadd.s32 v3, v58;
	[tilespmem:s12+$0xEA0] =	vst v60  }
0x76: {  	v62 =	vadd.s32 v3, v19;
	[tilespmem:s12+$0xE50] =	vst v61  }
0x77: {  	v23 =	vadd.s32 v1, v58;
	[tilespmem:s12+$0xE90] =	vst v62  }
0x78: {  	v19 =	vadd.s32 v1, v19;
	[tilespmem:s12+$0xE40] =	vst v23  }
0x79: {  	[tilespmem:s12+$0xE80] =	vst v19;
	v19 =	vadd.s32 v1, v25  }
0x7a: {  	s11 =	sshra.s32 s11, $0x2;
	[tilespmem:s12+$0xE00] =	vst v19;
	v19 =	vadd.s32 v3, v24  }
0x7b: {  	s13 =	sadd.s32 $0xD00, s12;
	s14 =	sadd.s32 $0x4D00, s11;
	[tilespmem:s12+$0xDF0] =	vst v19  }
0x7c: {  	[tilespmem:s14], [sflag:$0x1] =	stream.indirect.gather [hbm4b:s3+s18], $0x1, s13, s18, $0xb8;
	[tilespmem:$0x1ED00] =	vst v63  }
0x7d: {  	s26 =	sadd.s32 $0xD80, s12;
	s28 =	sadd.s32 $0x4D80, s11  }
0x7e: {  	[tilespmem:s28], [sflag:$0x1] =	stream.indirect.gather [hbm4b:s3+s18], $0x1, s26, s18, $0xb8;
	[tilespmem:$0x1ED00] =	vst v63  }
0x7f: {  	s29 =	sadd.s32 $0xE00, s12;
	s30 =	sadd.s32 $0x4E00, s11  }
0x80: {  	[tilespmem:s30], [sflag:$0x1] =	stream.indirect.gather [hbm4b:s3+s18], $0x1, s29, s18, $0xb8;
	[tilespmem:$0x1ED00] =	vst v63  }
0x81: {  	s31 =	sadd.s32 $0xE80, s12;
	s11 =	sadd.s32 $0x4E80, s11  }
0x82: {  	[tilespmem:s11], [sflag:$0x1] =	stream.indirect.gather [hbm4b:s3+s18], $0x1, s31, s18, $0xb8;
	[tilespmem:$0x1ED00] =	vst v63  }
0x83: {  	_ =	swait.ge [sflag:s8], $0x80  }
0x84: {  	s11 =	simm.s32 $0x7F;
	[sflag:s8] =	ssyncset.done $0x0  }
.LBB2_4:
0x85: {  	p0 =	sne.s32 s11, $0x1;
	s11 =	sadd.s32 $0xFFFFFFFF, s11;
	[sflag:s8] =	ssyncadd.s32 $0xFFFFFF80  }
.Ltmp1:
0x86: {  	(pc) =	sbr.rel @p0 .LBB2_4-.Ltmp1, $3  }
0x87: {  	_ =	sdelay $0x1  }
0x88: {  	_ =	swait.ge [sflag:s8], $0x80  }
0x89: {  	[sflag:s8] =	ssyncset.done $0x0  }
0x8a: {  	s10 =	sadd.s32 $0x1, s10  }
0x8b: {  	p0 =	sne.s32 s10, s6  }
.Ltmp2:
0x8c: {  	[sflag:s8] =	ssyncadd.s32 $0xFFFFFF80;
	(pc) =	sbr.rel @p0 .LBB2_1-.Ltmp2, $4  }
0x8d: {  	[hbm4b:s5+s2] =	stream.linear.scatter [tilespmem:s9], [sflag:$0x2], $0x1A000, $0x38;
	[tilespmem:$0x1ED00] =	vst v63  }
0x8e: {  	_ =	swait.ge [sflag:s7], $0x1A000  }
0x8f: {  	[sflag:s7] =	ssyncset.done $0x0  }
0x90: {  	[sflag:s7] =	ssyncadd.s32 $0xFFFE6000  }
0x91: {  	_ =	sfence.sel $0x180000  }
0x92: {  	[bflag:$0x0] =	sbarrier.arrive $0xFFFF  }
0x93: {  	p0 =	sne.s32 s0, $0x0;
	_ =	strace $0x90000047  }
0x94: {  	s0 =	sadd.s32 @!p0 $0x100000, s1;
	[bflag:$0x2] =	sbarrier.arrive $0xFFFF  }
0x95: {  	[sflag:s0] =	ssyncadd.tile.s32 @!p0 $0x1;
	_ =	shalt  }
.Lfunc_end2:
_tile_overlayer_lowered:
.L_overlay_start_2:
0x96: {  	(tag) =	ssettag $0x2  }
0x97: {  	s0 =	rddreg [dreg:$0x0];
	s2 =	stileid.u32  }
0x98: {  	s1 =	rddreg [dreg:$0x1];
	p0 =	sne.s32 s2, $0x0  }
0x99: {  	s3 =	rddreg [dreg:$0x2];
	[bflag:$0x3] =	sbarrier.arrive $0xFFFF;
	s2 =	simm.s32 @!p0 $0x1C02  }
0x9a: {  	[timem:s3], [sflag:s2] =	dma.local @!p0 [hbm:s0], s1  }
0x9b: {  	s0 =	simm.s32 @!p0 $0x2  }
0x9c: {  	_ =	swait.ge @!p0 [sflag:s0], s1  }
0x9d: {  	s1 =	ssub.s32 @!p0 $0x0, s1;
	[sflag:s0] =	ssyncset.done @!p0 $0x0  }
0x9e: {  	[sflag:s0] =	ssyncadd.s32 @!p0 s1  }
0x9f: {  	[bflag:$0x3] =	sbarrier.arrive $0xFFFF  }
0xa0: {  	_ =	shalt  }

</sc_bundles>
